<compile_context>
chip_gen: v7x
topology: tpu7x:2x2x1
jax: 0.10.2.dev20260603
libtpu: 0.0.44.dev20260713+nightly
codegen_flags: <defaults>
</compile_context>

<pallas_src>
import functools

import jax
import jax.numpy as jnp
from jax import lax
from jax.experimental import pallas as pl
from jax.experimental.pallas import tpu as pltpu
from jax.experimental.pallas import tpu_sc as plsc

D = 128
L = 16
NC = 2
NS = 16
NW = NC * NS
CH = 128
DW = D // 2


def _pack_cols(v_bf):
  lo = lax.bitcast_convert_type(v_bf[..., :DW], jnp.uint16).astype(jnp.uint32)
  hi = lax.bitcast_convert_type(v_bf[..., DW:], jnp.uint16).astype(jnp.uint32)
  return lax.bitcast_convert_type(lo | (hi << 16), jnp.int32)


def _tc_project(x, a, wb, b1row):
  n = x.shape[0]
  blk = 2000
  grid = n // blk

  def body(x_ref, a_ref, wb_ref, b_ref, t_ref):
    xv = x_ref[...]
    p = jnp.dot(xv, a_ref[...], preferred_element_type=jnp.float32) + b_ref[...]
    q = jnp.dot(xv, wb_ref[...], preferred_element_type=jnp.float32)
    pq = jnp.concatenate(
        [_pack_cols(p.astype(jnp.bfloat16)),
         _pack_cols(q.astype(jnp.bfloat16))], axis=1)
    t_ref[...] = pq.reshape(blk * D)

  return pl.pallas_call(
      body,
      grid=(grid,),
      in_specs=[
          pl.BlockSpec((blk, D), lambda i: (i, 0)),
          pl.BlockSpec((D, D), lambda i: (0, 0)),
          pl.BlockSpec((D, D), lambda i: (0, 0)),
          pl.BlockSpec((1, D), lambda i: (0, 0)),
      ],
      out_specs=pl.BlockSpec((blk * D,), lambda i: (i,)),
      out_shape=jax.ShapeDtypeStruct((n * D,), jnp.int32),
  )(x, a, wb, b1row)


NBUF = 4


def _make_sc_edge_kernel(n_edges):
  nchunk = -(-(-(-n_edges // NW)) // CH)
  nchunk = -(-nchunk // NBUF) * NBUF
  per_worker = nchunk * CH
  stride = n_edges // NW
  assert stride % 8 == 0 and (n_edges - per_worker) % 8 == 0
  assert per_worker <= n_edges
  mesh = plsc.VectorSubcoreMesh(core_axis_name="c", subcore_axis_name="s")

  @functools.partial(
      pl.kernel,
      mesh=mesh,
      out_type=jax.ShapeDtypeStruct((n_edges,), jnp.float32),
      scratch_types=[
          pltpu.VMEM((per_worker,), jnp.int32),
          pltpu.VMEM((per_worker,), jnp.int32),
          [pltpu.VMEM((CH, DW), jnp.int32)] * NBUF,
          [pltpu.VMEM((CH, DW), jnp.int32)] * NBUF,
          pltpu.VMEM((per_worker,), jnp.float32),
          pltpu.VMEM((DW,), jnp.int32),
          [pltpu.SemaphoreType.DMA] * NBUF,
          [pltpu.SemaphoreType.DMA] * NBUF,
      ],
      compiler_params=pltpu.CompilerParams(
          needs_layout_passes=False, use_tc_tiling_on_sc=False),
  )
  def sc_edge(t_hbm, edge_hbm, w2_hbm, out_hbm,
              sidx, didx, pbufs, qbufs, oall, w2v,
              psems, qsems):
    wid = lax.axis_index("s") * NC + lax.axis_index("c")
    base = jnp.minimum(wid * stride, n_edges - per_worker)
    pltpu.sync_copy(w2_hbm, w2v)
    pltpu.sync_copy(edge_hbm.at[0, pl.ds(base, per_worker)], sidx)
    pltpu.sync_copy(edge_hbm.at[1, pl.ds(base, per_worker)], didx)

    @plsc.parallel_loop(0, per_worker // L, step=1, unroll=4)
    def _(i):
      sl = pl.ds(i * L, L)
      sidx[sl] = sidx[sl] * 2
      didx[sl] = didx[sl] * 2 + 1
    w2c = [plsc.bitcast(w2v[pl.ds(c * L, L)], jnp.bfloat16)
           for c in range(DW // L)]
    last_lane = lax.iota(jnp.int32, L) == (L - 1)

    def issue(ci, b):
      pltpu.async_copy(
          t_hbm.at[sidx.at[pl.ds(ci * CH, CH)]], pbufs[b], psems[b])
      pltpu.async_copy(
          t_hbm.at[didx.at[pl.ds(ci * CH, CH)]], qbufs[b], qsems[b])

    def drain(ci, b):
      pltpu.make_async_copy(
          t_hbm.at[sidx.at[pl.ds(ci * CH, CH)]], pbufs[b], psems[b]).wait()
      pltpu.make_async_copy(
          t_hbm.at[didx.at[pl.ds(ci * CH, CH)]], qbufs[b], qsems[b]).wait()

    for w in range(NBUF - 1):
      issue(w, w)

    def pair_body(g, carry):
      for b in range(NBUF):
        ci = NBUF * g + b
        pbuf, qbuf = pbufs[b], qbufs[b]

        @pl.when(ci + NBUF - 1 < nchunk)
        def _():
          issue(ci + NBUF - 1, (b + NBUF - 1) % NBUF)

        drain(ci, b)

        @plsc.parallel_loop(0, CH, step=1, unroll=8)
        def _(e):
          prods = []
          for c in range(DW // L):
            pv = plsc.bitcast(pbuf[e, pl.ds(c * L, L)], jnp.bfloat16)
            qv = plsc.bitcast(qbuf[e, pl.ds(c * L, L)], jnp.bfloat16)
            prods.append(jnp.maximum(pv - qv, jnp.bfloat16(0)) * w2c[c])
          accb = (prods[0] + prods[1]) + (prods[2] + prods[3])
          hi, lo = plsc.unpack(accb, format=plsc.PackFormat.INTERLEAVED)
          tot = plsc.cumsum(hi + lo)
          plsc.store_scatter(
              oall, [jnp.full((L,), ci * CH + e, jnp.int32)], tot,
              mask=last_lane)
      return carry

    lax.fori_loop(0, nchunk // NBUF, pair_body, 0)
    pltpu.sync_copy(oall, out_hbm.at[pl.ds(base, per_worker)])

  return sc_edge


def kernel(x, edge_index, initial_score, W1, b1, W2):
  del initial_score
  n_edges = edge_index.shape[1]
  w1a = W1[:D]
  w1b = W1[D:]
  t_lin = _tc_project(x, w1a + w1b, w1b, b1.reshape(1, D))
  table = t_lin.reshape(2 * x.shape[0], DW)
  w2_packed = _pack_cols(W2.reshape(1, D).astype(jnp.bfloat16)).reshape(DW)

  edges = edge_index.astype(jnp.int32)
  return _make_sc_edge_kernel(n_edges)(table, edges, w2_packed)

# --- scband reference (transcript-rebuilt; emitter-appended) ---
"""Pipeline reference for scband-edge-inference-20753281975109 (READ-ONLY COPY).

The authoritative reference and input builder live on the scoring server;
editing this copy changes nothing except your own understanding.
"""

import jax, jax.numpy as jnp
import numpy as np

N_NODES = 10000
N_EDGES = 320000
D = 128

def setup_inputs(seed: int = 0) -> dict:
    key = jax.random.key(seed)
    k1, k2, k3, k4, k5, k6, k7 = jax.random.split(key, 7)
    x = jax.random.normal(k1, (N_NODES, D), dtype=jnp.float32)
    edge_index = jax.random.randint(k2, (2, N_EDGES), 0, N_NODES, dtype=jnp.int64)
    initial_score = jax.random.uniform(k3, (N_EDGES,), dtype=jnp.float32)
    # MLP params: Linear(2*D -> D, bias=True), ReLU, Linear(D -> 1, bias=False)
    lim1 = 1.0 / np.sqrt(2 * D)
    W1 = jax.random.uniform(k4, (2 * D, D), minval=-lim1, maxval=lim1, dtype=jnp.float32)
    b1 = jax.random.uniform(k5, (D,), minval=-lim1, maxval=lim1, dtype=jnp.float32)
    lim2 = 1.0 / np.sqrt(D)
    W2 = jax.random.uniform(k6, (D, 1), minval=-lim2, maxval=lim2, dtype=jnp.float32)
    return {"x": x, "edge_index": edge_index, "initial_score": initial_score, "W1": W1, "b1": b1, "W2": W2}

def reference(x, edge_index, initial_score, W1, b1, W2):
    # edge_inference: gather src/dst short_term_representation per edge
    src = jnp.take(x, edge_index[0], axis=0)
    dst = jnp.take(x, edge_index[1], axis=0)
    # initial_score is loaded in the original edge UDF but unused in computation
    interact = jnp.concatenate((src, src - dst), axis=-1)
    h = jax.nn.relu(interact @ W1 + b1)
    interact_score = (h @ W2).squeeze(-1)
    return interact_score

if __name__ == "__main__":
    import jax
    _d = setup_inputs()
    print(jax.jit(kernel)(*tuple(_d.values())))

</pallas_src>

<mosaic_0001>
#map = affine_map<(d0, d1) -> (0, 0)>
#map1 = affine_map<(d0, d1) -> (0)>
module attributes {stable_mosaic.version = 14 : i64} {
  func.func @sc_edge(%arg0: i32, %arg1: i32, %arg2: memref<20000x64xi32, #tpu.memory_space<hbm>>, %arg3: memref<2x320000xi32, #tpu.memory_space<hbm>>, %arg4: memref<64xi32, #tpu.memory_space<hbm>>, %arg5: memref<320000xf32, #tpu.memory_space<hbm>>, %arg6: memref<10240xi32, #tpu.memory_space<vmem>>, %arg7: memref<10240xi32, #tpu.memory_space<vmem>>, %arg8: memref<128x64xi32, #tpu.memory_space<vmem>>, %arg9: memref<128x64xi32, #tpu.memory_space<vmem>>, %arg10: memref<128x64xi32, #tpu.memory_space<vmem>>, %arg11: memref<128x64xi32, #tpu.memory_space<vmem>>, %arg12: memref<128x64xi32, #tpu.memory_space<vmem>>, %arg13: memref<128x64xi32, #tpu.memory_space<vmem>>, %arg14: memref<128x64xi32, #tpu.memory_space<vmem>>, %arg15: memref<128x64xi32, #tpu.memory_space<vmem>>, %arg16: memref<10240xf32, #tpu.memory_space<vmem>>, %arg17: memref<64xi32, #tpu.memory_space<vmem>>, %arg18: memref<!tpu.dma_semaphore, #tpu.memory_space<semaphore_mem>>, %arg19: memref<!tpu.dma_semaphore, #tpu.memory_space<semaphore_mem>>, %arg20: memref<!tpu.dma_semaphore, #tpu.memory_space<semaphore_mem>>, %arg21: memref<!tpu.dma_semaphore, #tpu.memory_space<semaphore_mem>>, %arg22: memref<!tpu.dma_semaphore, #tpu.memory_space<semaphore_mem>>, %arg23: memref<!tpu.dma_semaphore, #tpu.memory_space<semaphore_mem>>, %arg24: memref<!tpu.dma_semaphore, #tpu.memory_space<semaphore_mem>>, %arg25: memref<!tpu.dma_semaphore, #tpu.memory_space<semaphore_mem>>) attributes {dimension_semantics = [#tpu.dimension_semantics<core_parallel>, #tpu.dimension_semantics<subcore_parallel>], iteration_bounds = array<i64: 2, 16>, scalar_prefetch = 0 : i64, scratch_operands = 20 : i64, tpu.core_type = #tpu.core_type<sc_vector_subcore>, window_params = [{transform_indices = #map}, {transform_indices = #map}, {transform_indices = #map1}, {transform_indices = #map1}]} {
    %mul3A = arith.constant 2 : i32
    %mul3A_0 = arith.muli %arg1, %mul3A : i32
    %add3A = arith.addi %mul3A_0, %arg0 : i32
    %mul3A_1 = arith.constant 10000 : i32
    %mul3A_2 = arith.muli %add3A, %mul3A_1 : i32
    %min3A = arith.constant 309760 : i32
    %min3A_3 = arith.minsi %mul3A_2, %min3A : i32
    "tpu.region"() ({
      %run_scoped3A_53 = tpu.sem_alloc : memref<!tpu.dma_semaphore, #tpu.memory_space<semaphore_mem>>
      tpu.enqueue_dma source(%arg4 : memref<64xi32, #tpu.memory_space<hbm>>) target(%arg17 : memref<64xi32, #tpu.memory_space<vmem>>) target_semaphore(%run_scoped3A_53 : memref<!tpu.dma_semaphore, #tpu.memory_space<semaphore_mem>>)
      tpu.wait_dma2 semaphore(%run_scoped3A_53 : memref<!tpu.dma_semaphore, #tpu.memory_space<semaphore_mem>>) src(%arg4 : memref<64xi32, #tpu.memory_space<hbm>>) dst(%arg17 : memref<64xi32, #tpu.memory_space<vmem>>)
      tpu.yield
    }) : () -> ()
    %run_scoped3A = arith.constant 0 : i32
    "tpu.region"() ({
      %run_scoped3A_53 = tpu.sem_alloc : memref<!tpu.dma_semaphore, #tpu.memory_space<semaphore_mem>>
      %dma_start3A_54 = tpu.memref_slice %arg3[%run_scoped3A, %min3A_3] : memref<2x320000xi32, #tpu.memory_space<hbm>> -> memref<1x10240xi32, #tpu.memory_space<hbm>>
      %dma_start3A_55 = tpu.memref_squeeze %dma_start3A_54 : memref<1x10240xi32, #tpu.memory_space<hbm>> -> memref<10240xi32, #tpu.memory_space<hbm>>
      %dma_start3A_56 = tpu.memref_slice %arg3[%run_scoped3A, %min3A_3] : memref<2x320000xi32, #tpu.memory_space<hbm>> -> memref<1x10240xi32, #tpu.memory_space<hbm>>
      %dma_start3A_57 = tpu.memref_squeeze %dma_start3A_56 : memref<1x10240xi32, #tpu.memory_space<hbm>> -> memref<10240xi32, #tpu.memory_space<hbm>>
      tpu.enqueue_dma source(%dma_start3A_57 : memref<10240xi32, #tpu.memory_space<hbm>>) target(%arg6 : memref<10240xi32, #tpu.memory_space<vmem>>) target_semaphore(%run_scoped3A_53 : memref<!tpu.dma_semaphore, #tpu.memory_space<semaphore_mem>>)
      %dma_wait3A = tpu.memref_slice %arg3[%run_scoped3A, %min3A_3] : memref<2x320000xi32, #tpu.memory_space<hbm>> -> memref<1x10240xi32, #tpu.memory_space<hbm>>
      %dma_wait3A_58 = tpu.memref_squeeze %dma_wait3A : memref<1x10240xi32, #tpu.memory_space<hbm>> -> memref<10240xi32, #tpu.memory_space<hbm>>
      %dma_wait3A_59 = tpu.memref_slice %arg3[%run_scoped3A, %min3A_3] : memref<2x320000xi32, #tpu.memory_space<hbm>> -> memref<1x10240xi32, #tpu.memory_space<hbm>>
      %dma_wait3A_60 = tpu.memref_squeeze %dma_wait3A_59 : memref<1x10240xi32, #tpu.memory_space<hbm>> -> memref<10240xi32, #tpu.memory_space<hbm>>
      tpu.wait_dma2 semaphore(%run_scoped3A_53 : memref<!tpu.dma_semaphore, #tpu.memory_space<semaphore_mem>>) src(%dma_wait3A_60 : memref<10240xi32, #tpu.memory_space<hbm>>) dst(%arg6 : memref<10240xi32, #tpu.memory_space<vmem>>)
      tpu.yield
    }) : () -> ()
    %run_scoped3A_4 = arith.constant 1 : i32
    "tpu.region"() ({
      %run_scoped3A_53 = tpu.sem_alloc : memref<!tpu.dma_semaphore, #tpu.memory_space<semaphore_mem>>
      %dma_start3A_54 = tpu.memref_slice %arg3[%run_scoped3A_4, %min3A_3] : memref<2x320000xi32, #tpu.memory_space<hbm>> -> memref<1x10240xi32, #tpu.memory_space<hbm>>
      %dma_start3A_55 = tpu.memref_squeeze %dma_start3A_54 : memref<1x10240xi32, #tpu.memory_space<hbm>> -> memref<10240xi32, #tpu.memory_space<hbm>>
      %dma_start3A_56 = tpu.memref_slice %arg3[%run_scoped3A_4, %min3A_3] : memref<2x320000xi32, #tpu.memory_space<hbm>> -> memref<1x10240xi32, #tpu.memory_space<hbm>>
      %dma_start3A_57 = tpu.memref_squeeze %dma_start3A_56 : memref<1x10240xi32, #tpu.memory_space<hbm>> -> memref<10240xi32, #tpu.memory_space<hbm>>
      tpu.enqueue_dma source(%dma_start3A_57 : memref<10240xi32, #tpu.memory_space<hbm>>) target(%arg7 : memref<10240xi32, #tpu.memory_space<vmem>>) target_semaphore(%run_scoped3A_53 : memref<!tpu.dma_semaphore, #tpu.memory_space<semaphore_mem>>)
      %dma_wait3A = tpu.memref_slice %arg3[%run_scoped3A_4, %min3A_3] : memref<2x320000xi32, #tpu.memory_space<hbm>> -> memref<1x10240xi32, #tpu.memory_space<hbm>>
      %dma_wait3A_58 = tpu.memref_squeeze %dma_wait3A : memref<1x10240xi32, #tpu.memory_space<hbm>> -> memref<10240xi32, #tpu.memory_space<hbm>>
      %dma_wait3A_59 = tpu.memref_slice %arg3[%run_scoped3A_4, %min3A_3] : memref<2x320000xi32, #tpu.memory_space<hbm>> -> memref<1x10240xi32, #tpu.memory_space<hbm>>
      %dma_wait3A_60 = tpu.memref_squeeze %dma_wait3A_59 : memref<1x10240xi32, #tpu.memory_space<hbm>> -> memref<10240xi32, #tpu.memory_space<hbm>>
      tpu.wait_dma2 semaphore(%run_scoped3A_53 : memref<!tpu.dma_semaphore, #tpu.memory_space<semaphore_mem>>) src(%dma_wait3A_60 : memref<10240xi32, #tpu.memory_space<hbm>>) dst(%arg7 : memref<10240xi32, #tpu.memory_space<vmem>>)
      tpu.yield
    }) : () -> ()
    %parallel_loop3A = arith.constant 0 : i32
    %parallel_loop3A_5 = arith.constant 640 : i32
    %parallel_loop3A_6 = arith.constant 1 : i32
    scf.for %parallel_loop3A_53 = %parallel_loop3A to %parallel_loop3A_5 step %parallel_loop3A_6  : i32 {
      %parallel_loop3A_54 = arith.constant 16 : i32
      %parallel_loop3A_55 = arith.muli %parallel_loop3A_53, %parallel_loop3A_54 : i32
      %parallel_loop3A_56 = arith.index_cast %parallel_loop3A_55 : i32 to index
      %parallel_loop3A_57 = tpu.vector_load %arg6[%parallel_loop3A_56] {strides = array<i32>} : memref<10240xi32, #tpu.memory_space<vmem>>, vector<16xi32>,
      %parallel_loop3A_58 = arith.constant 2 : i32
      %parallel_loop3A_59 = vector.broadcast %parallel_loop3A_58 : i32 to vector<16xi32>
      %parallel_loop3A_60 = arith.muli %parallel_loop3A_57, %parallel_loop3A_59 : vector<16xi32>
      %parallel_loop3A_61 = arith.index_cast %parallel_loop3A_55 : i32 to index
      %parallel_loop3A_62 = tpu.vector_load %arg6[%parallel_loop3A_61] {strides = array<i32>} : memref<10240xi32, #tpu.memory_space<vmem>>, vector<16xi32>,
      tpu.vector_store %arg6[%parallel_loop3A_61], %parallel_loop3A_60 {strides = array<i32>} : memref<10240xi32, #tpu.memory_space<vmem>>, vector<16xi32>,
      %parallel_loop3A_63 = arith.index_cast %parallel_loop3A_55 : i32 to index
      %parallel_loop3A_64 = tpu.vector_load %arg7[%parallel_loop3A_63] {strides = array<i32>} : memref<10240xi32, #tpu.memory_space<vmem>>, vector<16xi32>,
      %parallel_loop3A_65 = arith.constant 2 : i32
      %parallel_loop3A_66 = vector.broadcast %parallel_loop3A_65 : i32 to vector<16xi32>
      %parallel_loop3A_67 = arith.muli %parallel_loop3A_64, %parallel_loop3A_66 : vector<16xi32>
      %parallel_loop3A_68 = arith.constant 1 : i32
      %parallel_loop3A_69 = vector.broadcast %parallel_loop3A_68 : i32 to vector<16xi32>
      %parallel_loop3A_70 = arith.addi %parallel_loop3A_67, %parallel_loop3A_69 : vector<16xi32>
      %parallel_loop3A_71 = arith.index_cast %parallel_loop3A_55 : i32 to index
      %parallel_loop3A_72 = tpu.vector_load %arg7[%parallel_loop3A_71] {strides = array<i32>} : memref<10240xi32, #tpu.memory_space<vmem>>, vector<16xi32>,
      tpu.vector_store %arg7[%parallel_loop3A_71], %parallel_loop3A_70 {strides = array<i32>} : memref<10240xi32, #tpu.memory_space<vmem>>, vector<16xi32>,
    } {sc.loop_unroll_factor = 4 : i64, sc.parallel_access}
    %get3A = arith.constant 0 : index
    %get3A_7 = tpu.vector_load %arg17[%get3A] {strides = array<i32>} : memref<64xi32, #tpu.memory_space<vmem>>, vector<16xi32>,
    %bitcast3A = vector.bitcast %get3A_7 : vector<16xi32> to vector<32xbf16>
    %get3A_8 = arith.constant 16 : index
    %get3A_9 = tpu.vector_load %arg17[%get3A_8] {strides = array<i32>} : memref<64xi32, #tpu.memory_space<vmem>>, vector<16xi32>,
    %bitcast3A_10 = vector.bitcast %get3A_9 : vector<16xi32> to vector<32xbf16>
    %get3A_11 = arith.constant 32 : index
    %get3A_12 = tpu.vector_load %arg17[%get3A_11] {strides = array<i32>} : memref<64xi32, #tpu.memory_space<vmem>>, vector<16xi32>,
    %bitcast3A_13 = vector.bitcast %get3A_12 : vector<16xi32> to vector<32xbf16>
    %get3A_14 = arith.constant 48 : index
    %get3A_15 = tpu.vector_load %arg17[%get3A_14] {strides = array<i32>} : memref<64xi32, #tpu.memory_space<vmem>>, vector<16xi32>,
    %bitcast3A_16 = vector.bitcast %get3A_15 : vector<16xi32> to vector<32xbf16>
    %iota3A = tpu.iota {dimensions = array<i32: 0>} : vector<16xi32>
    %eq3A = arith.constant 15 : i32
    %eq3A_17 = vector.broadcast %eq3A : i32 to vector<16xi32>
    %eq3A_18 = arith.cmpi eq, %iota3A, %eq3A_17 : vector<16xi32>
    %dma_start3A = arith.constant 0 : i32
    %dma_start3A_19 = tpu.memref_slice %arg6[%dma_start3A] : memref<10240xi32, #tpu.memory_space<vmem>> -> memref<128xi32, #tpu.memory_space<vmem>>
    %dma_start3A_20 = arith.constant 0 : i32
    %dma_start3A_21 = arith.constant 0 : i32
    %dma_start3A_22 = tpu.memref_slice %arg2[%dma_start3A_20, %dma_start3A_21] : memref<20000x64xi32, #tpu.memory_space<hbm>> -> memref<20000x64xi32, #tpu.memory_space<hbm>>
    tpu.enqueue_indirect_dma source(%dma_start3A_22 : memref<20000x64xi32, #tpu.memory_space<hbm>>) target(%arg8 : memref<128x64xi32, #tpu.memory_space<vmem>>) offsets(%dma_start3A_19 : memref<128xi32, #tpu.memory_space<vmem>>) semaphore(%arg18 : memref<!tpu.dma_semaphore, #tpu.memory_space<semaphore_mem>>)
    %dma_start3A_23 = arith.constant 0 : i32
    %dma_start3A_24 = tpu.memref_slice %arg7[%dma_start3A_23] : memref<10240xi32, #tpu.memory_space<vmem>> -> memref<128xi32, #tpu.memory_space<vmem>>
    %dma_start3A_25 = arith.constant 0 : i32
    %dma_start3A_26 = arith.constant 0 : i32
    %dma_start3A_27 = tpu.memref_slice %arg2[%dma_start3A_25, %dma_start3A_26] : memref<20000x64xi32, #tpu.memory_space<hbm>> -> memref<20000x64xi32, #tpu.memory_space<hbm>>
    tpu.enqueue_indirect_dma source(%dma_start3A_27 : memref<20000x64xi32, #tpu.memory_space<hbm>>) target(%arg12 : memref<128x64xi32, #tpu.memory_space<vmem>>) offsets(%dma_start3A_24 : memref<128xi32, #tpu.memory_space<vmem>>) semaphore(%arg22 : memref<!tpu.dma_semaphore, #tpu.memory_space<semaphore_mem>>)
    %dma_start3A_28 = arith.constant 128 : i32
    %dma_start3A_29 = tpu.memref_slice %arg6[%dma_start3A_28] : memref<10240xi32, #tpu.memory_space<vmem>> -> memref<128xi32, #tpu.memory_space<vmem>>
    %dma_start3A_30 = arith.constant 0 : i32
    %dma_start3A_31 = arith.constant 0 : i32
    %dma_start3A_32 = tpu.memref_slice %arg2[%dma_start3A_30, %dma_start3A_31] : memref<20000x64xi32, #tpu.memory_space<hbm>> -> memref<20000x64xi32, #tpu.memory_space<hbm>>
    tpu.enqueue_indirect_dma source(%dma_start3A_32 : memref<20000x64xi32, #tpu.memory_space<hbm>>) target(%arg9 : memref<128x64xi32, #tpu.memory_space<vmem>>) offsets(%dma_start3A_29 : memref<128xi32, #tpu.memory_space<vmem>>) semaphore(%arg19 : memref<!tpu.dma_semaphore, #tpu.memory_space<semaphore_mem>>)
    %dma_start3A_33 = arith.constant 128 : i32
    %dma_start3A_34 = tpu.memref_slice %arg7[%dma_start3A_33] : memref<10240xi32, #tpu.memory_space<vmem>> -> memref<128xi32, #tpu.memory_space<vmem>>
    %dma_start3A_35 = arith.constant 0 : i32
    %dma_start3A_36 = arith.constant 0 : i32
    %dma_start3A_37 = tpu.memref_slice %arg2[%dma_start3A_35, %dma_start3A_36] : memref<20000x64xi32, #tpu.memory_space<hbm>> -> memref<20000x64xi32, #tpu.memory_space<hbm>>
    tpu.enqueue_indirect_dma source(%dma_start3A_37 : memref<20000x64xi32, #tpu.memory_space<hbm>>) target(%arg13 : memref<128x64xi32, #tpu.memory_space<vmem>>) offsets(%dma_start3A_34 : memref<128xi32, #tpu.memory_space<vmem>>) semaphore(%arg23 : memref<!tpu.dma_semaphore, #tpu.memory_space<semaphore_mem>>)
    %dma_start3A_38 = arith.constant 256 : i32
    %dma_start3A_39 = tpu.memref_slice %arg6[%dma_start3A_38] : memref<10240xi32, #tpu.memory_space<vmem>> -> memref<128xi32, #tpu.memory_space<vmem>>
    %dma_start3A_40 = arith.constant 0 : i32
    %dma_start3A_41 = arith.constant 0 : i32
    %dma_start3A_42 = tpu.memref_slice %arg2[%dma_start3A_40, %dma_start3A_41] : memref<20000x64xi32, #tpu.memory_space<hbm>> -> memref<20000x64xi32, #tpu.memory_space<hbm>>
    tpu.enqueue_indirect_dma source(%dma_start3A_42 : memref<20000x64xi32, #tpu.memory_space<hbm>>) target(%arg10 : memref<128x64xi32, #tpu.memory_space<vmem>>) offsets(%dma_start3A_39 : memref<128xi32, #tpu.memory_space<vmem>>) semaphore(%arg20 : memref<!tpu.dma_semaphore, #tpu.memory_space<semaphore_mem>>)
    %dma_start3A_43 = arith.constant 256 : i32
    %dma_start3A_44 = tpu.memref_slice %arg7[%dma_start3A_43] : memref<10240xi32, #tpu.memory_space<vmem>> -> memref<128xi32, #tpu.memory_space<vmem>>
    %dma_start3A_45 = arith.constant 0 : i32
    %dma_start3A_46 = arith.constant 0 : i32
    %dma_start3A_47 = tpu.memref_slice %arg2[%dma_start3A_45, %dma_start3A_46] : memref<20000x64xi32, #tpu.memory_space<hbm>> -> memref<20000x64xi32, #tpu.memory_space<hbm>>
    tpu.enqueue_indirect_dma source(%dma_start3A_47 : memref<20000x64xi32, #tpu.memory_space<hbm>>) target(%arg14 : memref<128x64xi32, #tpu.memory_space<vmem>>) offsets(%dma_start3A_44 : memref<128xi32, #tpu.memory_space<vmem>>) semaphore(%arg24 : memref<!tpu.dma_semaphore, #tpu.memory_space<semaphore_mem>>)
    %scan3A = arith.constant 0 : i32
    %scan3A_48 = arith.constant 0 : i32
    %scan3A_49 = arith.constant 20 : i32
    %scan3A_50 = arith.addi %scan3A_48, %scan3A_49 : i32
    %scan3A_51 = arith.constant 1 : i32
    scf.for %scan3A_53 = %scan3A_48 to %scan3A_50 step %scan3A_51  : i32 {
      %mul3A_54 = arith.constant 4 : i32
      %mul3A_55 = arith.muli %mul3A_54, %scan3A_53 : i32
      %add3A_56 = arith.constant 0 : i32
      %add3A_57 = arith.addi %mul3A_55, %add3A_56 : i32
      %add3A_58 = arith.constant 4 : i32
      %add3A_59 = arith.addi %add3A_57, %add3A_58 : i32
      %sub3A = arith.constant 1 : i32
      %sub3A_60 = arith.subi %add3A_59, %sub3A : i32
      %lt3A = arith.constant 80 : i32
      %lt3A_61 = arith.cmpi slt, %sub3A_60, %lt3A : i32
      %convert_element_type3A = arith.extui %lt3A_61 : i1 to i32
      %cond3A = arith.constant 0 : i32
      %cond3A_62 = arith.cmpi ne, %convert_element_type3A, %cond3A : i32
      scf.if %cond3A_62 {
        %add3A_161 = arith.constant 4 : i32
        %add3A_162 = arith.addi %add3A_57, %add3A_161 : i32
        %sub3A_163 = arith.constant 1 : i32
        %sub3A_164 = arith.subi %add3A_162, %sub3A_163 : i32
        %mul3A_165 = arith.constant 128 : i32
        %mul3A_166 = arith.muli %sub3A_164, %mul3A_165 : i32
        %dma_start3A_167 = tpu.memref_slice %arg6[%mul3A_166] : memref<10240xi32, #tpu.memory_space<vmem>> -> memref<128xi32, #tpu.memory_space<vmem>>
        %dma_start3A_168 = arith.constant 0 : i32
        %dma_start3A_169 = arith.constant 0 : i32
        %dma_start3A_170 = tpu.memref_slice %arg2[%dma_start3A_168, %dma_start3A_169] : memref<20000x64xi32, #tpu.memory_space<hbm>> -> memref<20000x64xi32, #tpu.memory_space<hbm>>
        tpu.enqueue_indirect_dma source(%dma_start3A_170 : memref<20000x64xi32, #tpu.memory_space<hbm>>) target(%arg11 : memref<128x64xi32, #tpu.memory_space<vmem>>) offsets(%dma_start3A_167 : memref<128xi32, #tpu.memory_space<vmem>>) semaphore(%arg21 : memref<!tpu.dma_semaphore, #tpu.memory_space<semaphore_mem>>)
        %mul3A_171 = arith.constant 128 : i32
        %mul3A_172 = arith.muli %sub3A_164, %mul3A_171 : i32
        %dma_start3A_173 = tpu.memref_slice %arg7[%mul3A_172] : memref<10240xi32, #tpu.memory_space<vmem>> -> memref<128xi32, #tpu.memory_space<vmem>>
        %dma_start3A_174 = arith.constant 0 : i32
        %dma_start3A_175 = arith.constant 0 : i32
        %dma_start3A_176 = tpu.memref_slice %arg2[%dma_start3A_174, %dma_start3A_175] : memref<20000x64xi32, #tpu.memory_space<hbm>> -> memref<20000x64xi32, #tpu.memory_space<hbm>>
        tpu.enqueue_indirect_dma source(%dma_start3A_176 : memref<20000x64xi32, #tpu.memory_space<hbm>>) target(%arg15 : memref<128x64xi32, #tpu.memory_space<vmem>>) offsets(%dma_start3A_173 : memref<128xi32, #tpu.memory_space<vmem>>) semaphore(%arg25 : memref<!tpu.dma_semaphore, #tpu.memory_space<semaphore_mem>>)
      } else {
      }
      %mul3A_63 = arith.constant 128 : i32
      %mul3A_64 = arith.muli %add3A_57, %mul3A_63 : i32
      %dma_wait3A = tpu.memref_slice %arg6[%mul3A_64] : memref<10240xi32, #tpu.memory_space<vmem>> -> memref<128xi32, #tpu.memory_space<vmem>>
      %dma_wait3A_65 = arith.constant 0 : i32
      %dma_wait3A_66 = arith.constant 0 : i32
      %dma_wait3A_67 = tpu.memref_slice %arg2[%dma_wait3A_65, %dma_wait3A_66] : memref<20000x64xi32, #tpu.memory_space<hbm>> -> memref<20000x64xi32, #tpu.memory_space<hbm>>
      tpu.wait_indirect_dma semaphore(%arg18 : memref<!tpu.dma_semaphore, #tpu.memory_space<semaphore_mem>>) src(%dma_wait3A_67 : memref<20000x64xi32, #tpu.memory_space<hbm>>) dst(%arg8 : memref<128x64xi32, #tpu.memory_space<vmem>>)
      %mul3A_68 = arith.constant 128 : i32
      %mul3A_69 = arith.muli %add3A_57, %mul3A_68 : i32
      %dma_wait3A_70 = tpu.memref_slice %arg7[%mul3A_69] : memref<10240xi32, #tpu.memory_space<vmem>> -> memref<128xi32, #tpu.memory_space<vmem>>
      %dma_wait3A_71 = arith.constant 0 : i32
      %dma_wait3A_72 = arith.constant 0 : i32
      %dma_wait3A_73 = tpu.memref_slice %arg2[%dma_wait3A_71, %dma_wait3A_72] : memref<20000x64xi32, #tpu.memory_space<hbm>> -> memref<20000x64xi32, #tpu.memory_space<hbm>>
      tpu.wait_indirect_dma semaphore(%arg22 : memref<!tpu.dma_semaphore, #tpu.memory_space<semaphore_mem>>) src(%dma_wait3A_73 : memref<20000x64xi32, #tpu.memory_space<hbm>>) dst(%arg12 : memref<128x64xi32, #tpu.memory_space<vmem>>)
      %parallel_loop3A_74 = arith.constant 0 : i32
      %parallel_loop3A_75 = arith.constant 128 : i32
      %parallel_loop3A_76 = arith.constant 1 : i32
      scf.for %parallel_loop3A_161 = %parallel_loop3A_74 to %parallel_loop3A_75 step %parallel_loop3A_76  : i32 {
        %parallel_loop3A_162 = arith.index_cast %parallel_loop3A_161 : i32 to index
        %parallel_loop3A_163 = arith.constant 0 : index
        %parallel_loop3A_164 = tpu.vector_load %arg8[%parallel_loop3A_162, %parallel_loop3A_163] {strides = array<i32>} : memref<128x64xi32, #tpu.memory_space<vmem>>, vector<16xi32>,
        %parallel_loop3A_165 = vector.bitcast %parallel_loop3A_164 : vector<16xi32> to vector<32xbf16>
        %parallel_loop3A_166 = arith.index_cast %parallel_loop3A_161 : i32 to index
        %parallel_loop3A_167 = arith.constant 0 : index
        %parallel_loop3A_168 = tpu.vector_load %arg12[%parallel_loop3A_166, %parallel_loop3A_167] {strides = array<i32>} : memref<128x64xi32, #tpu.memory_space<vmem>>, vector<16xi32>,
        %parallel_loop3A_169 = vector.bitcast %parallel_loop3A_168 : vector<16xi32> to vector<32xbf16>
        %parallel_loop3A_170 = arith.subf %parallel_loop3A_165, %parallel_loop3A_169 : vector<32xbf16>
        %parallel_loop3A_171 = arith.constant 0.000000e+00 : bf16
        %parallel_loop3A_172 = vector.broadcast %parallel_loop3A_171 : bf16 to vector<32xbf16>
        %parallel_loop3A_173 = arith.maximumf %parallel_loop3A_170, %parallel_loop3A_172 : vector<32xbf16>
        %parallel_loop3A_174 = arith.mulf %parallel_loop3A_173, %bitcast3A : vector<32xbf16>
        %parallel_loop3A_175 = arith.index_cast %parallel_loop3A_161 : i32 to index
        %parallel_loop3A_176 = arith.constant 16 : index
        %parallel_loop3A_177 = tpu.vector_load %arg8[%parallel_loop3A_175, %parallel_loop3A_176] {strides = array<i32>} : memref<128x64xi32, #tpu.memory_space<vmem>>, vector<16xi32>,
        %parallel_loop3A_178 = vector.bitcast %parallel_loop3A_177 : vector<16xi32> to vector<32xbf16>
        %parallel_loop3A_179 = arith.index_cast %parallel_loop3A_161 : i32 to index
        %parallel_loop3A_180 = arith.constant 16 : index
        %parallel_loop3A_181 = tpu.vector_load %arg12[%parallel_loop3A_179, %parallel_loop3A_180] {strides = array<i32>} : memref<128x64xi32, #tpu.memory_space<vmem>>, vector<16xi32>,
        %parallel_loop3A_182 = vector.bitcast %parallel_loop3A_181 : vector<16xi32> to vector<32xbf16>
        %parallel_loop3A_183 = arith.subf %parallel_loop3A_178, %parallel_loop3A_182 : vector<32xbf16>
        %parallel_loop3A_184 = arith.constant 0.000000e+00 : bf16
        %parallel_loop3A_185 = vector.broadcast %parallel_loop3A_184 : bf16 to vector<32xbf16>
        %parallel_loop3A_186 = arith.maximumf %parallel_loop3A_183, %parallel_loop3A_185 : vector<32xbf16>
        %parallel_loop3A_187 = arith.mulf %parallel_loop3A_186, %bitcast3A_10 : vector<32xbf16>
        %parallel_loop3A_188 = arith.index_cast %parallel_loop3A_161 : i32 to index
        %parallel_loop3A_189 = arith.constant 32 : index
        %parallel_loop3A_190 = tpu.vector_load %arg8[%parallel_loop3A_188, %parallel_loop3A_189] {strides = array<i32>} : memref<128x64xi32, #tpu.memory_space<vmem>>, vector<16xi32>,
        %parallel_loop3A_191 = vector.bitcast %parallel_loop3A_190 : vector<16xi32> to vector<32xbf16>
        %parallel_loop3A_192 = arith.index_cast %parallel_loop3A_161 : i32 to index
        %parallel_loop3A_193 = arith.constant 32 : index
        %parallel_loop3A_194 = tpu.vector_load %arg12[%parallel_loop3A_192, %parallel_loop3A_193] {strides = array<i32>} : memref<128x64xi32, #tpu.memory_space<vmem>>, vector<16xi32>,
        %parallel_loop3A_195 = vector.bitcast %parallel_loop3A_194 : vector<16xi32> to vector<32xbf16>
        %parallel_loop3A_196 = arith.subf %parallel_loop3A_191, %parallel_loop3A_195 : vector<32xbf16>
        %parallel_loop3A_197 = arith.constant 0.000000e+00 : bf16
        %parallel_loop3A_198 = vector.broadcast %parallel_loop3A_197 : bf16 to vector<32xbf16>
        %parallel_loop3A_199 = arith.maximumf %parallel_loop3A_196, %parallel_loop3A_198 : vector<32xbf16>
        %parallel_loop3A_200 = arith.mulf %parallel_loop3A_199, %bitcast3A_13 : vector<32xbf16>
        %parallel_loop3A_201 = arith.index_cast %parallel_loop3A_161 : i32 to index
        %parallel_loop3A_202 = arith.constant 48 : index
        %parallel_loop3A_203 = tpu.vector_load %arg8[%parallel_loop3A_201, %parallel_loop3A_202] {strides = array<i32>} : memref<128x64xi32, #tpu.memory_space<vmem>>, vector<16xi32>,
        %parallel_loop3A_204 = vector.bitcast %parallel_loop3A_203 : vector<16xi32> to vector<32xbf16>
        %parallel_loop3A_205 = arith.index_cast %parallel_loop3A_161 : i32 to index
        %parallel_loop3A_206 = arith.constant 48 : index
        %parallel_loop3A_207 = tpu.vector_load %arg12[%parallel_loop3A_205, %parallel_loop3A_206] {strides = array<i32>} : memref<128x64xi32, #tpu.memory_space<vmem>>, vector<16xi32>,
        %parallel_loop3A_208 = vector.bitcast %parallel_loop3A_207 : vector<16xi32> to vector<32xbf16>
        %parallel_loop3A_209 = arith.subf %parallel_loop3A_204, %parallel_loop3A_208 : vector<32xbf16>
        %parallel_loop3A_210 = arith.constant 0.000000e+00 : bf16
        %parallel_loop3A_211 = vector.broadcast %parallel_loop3A_210 : bf16 to vector<32xbf16>
        %parallel_loop3A_212 = arith.maximumf %parallel_loop3A_209, %parallel_loop3A_211 : vector<32xbf16>
        %parallel_loop3A_213 = arith.mulf %parallel_loop3A_212, %bitcast3A_16 : vector<32xbf16>
        %parallel_loop3A_214 = arith.addf %parallel_loop3A_174, %parallel_loop3A_187 : vector<32xbf16>
        %parallel_loop3A_215 = arith.addf %parallel_loop3A_200, %parallel_loop3A_213 : vector<32xbf16>
        %parallel_loop3A_216 = arith.addf %parallel_loop3A_214, %parallel_loop3A_215 : vector<32xbf16>
        %parallel_loop3A_217 = tpu.unpack_subelements %parallel_loop3A_216, 0 {pack_format = #tpu.pack_format<interleaved>} : vector<32xbf16> -> vector<16xf32>
        %parallel_loop3A_218 = tpu.unpack_subelements %parallel_loop3A_216, 1 {pack_format = #tpu.pack_format<interleaved>} : vector<32xbf16> -> vector<16xf32>
        %parallel_loop3A_219 = arith.addf %parallel_loop3A_217, %parallel_loop3A_218 : vector<16xf32>
        %parallel_loop3A_220 = arith.constant true
        %parallel_loop3A_221 = vector.broadcast %parallel_loop3A_220 : i1 to vector<16xi1>
        %parallel_loop3A_222 = tpu.scan <sum>, %parallel_loop3A_219 masked %parallel_loop3A_221 : vector<16xf32>, vector<16xi1> -> vector<16xf32>
        %parallel_loop3A_223 = arith.constant 128 : i32
        %parallel_loop3A_224 = arith.muli %add3A_57, %parallel_loop3A_223 : i32
        %parallel_loop3A_225 = arith.addi %parallel_loop3A_224, %parallel_loop3A_161 : i32
        %parallel_loop3A_226 = vector.broadcast %parallel_loop3A_225 : i32 to vector<16xi32>
        tpu.vector_store_idx %arg16[%parallel_loop3A_226], %parallel_loop3A_222 masked %eq3A_18 : memref<10240xf32, #tpu.memory_space<vmem>>[vector<16xi32>], vector<16xf32>, vector<16xi1>
      } {sc.loop_unroll_factor = 8 : i64, sc.parallel_access}
      %mul3A_77 = arith.constant 4 : i32
      %mul3A_78 = arith.muli %mul3A_77, %scan3A_53 : i32
      %add3A_79 = arith.constant 1 : i32
      %add3A_80 = arith.addi %mul3A_78, %add3A_79 : i32
      %add3A_81 = arith.constant 4 : i32
      %add3A_82 = arith.addi %add3A_80, %add3A_81 : i32
      %sub3A_83 = arith.constant 1 : i32
      %sub3A_84 = arith.subi %add3A_82, %sub3A_83 : i32
      %lt3A_85 = arith.constant 80 : i32
      %lt3A_86 = arith.cmpi slt, %sub3A_84, %lt3A_85 : i32
      %convert_element_type3A_87 = arith.extui %lt3A_86 : i1 to i32
      %cond3A_88 = arith.constant 0 : i32
      %cond3A_89 = arith.cmpi ne, %convert_element_type3A_87, %cond3A_88 : i32
      scf.if %cond3A_89 {
        %add3A_161 = arith.constant 4 : i32
        %add3A_162 = arith.addi %add3A_80, %add3A_161 : i32
        %sub3A_163 = arith.constant 1 : i32
        %sub3A_164 = arith.subi %add3A_162, %sub3A_163 : i32
        %mul3A_165 = arith.constant 128 : i32
        %mul3A_166 = arith.muli %sub3A_164, %mul3A_165 : i32
        %dma_start3A_167 = tpu.memref_slice %arg6[%mul3A_166] : memref<10240xi32, #tpu.memory_space<vmem>> -> memref<128xi32, #tpu.memory_space<vmem>>
        %dma_start3A_168 = arith.constant 0 : i32
        %dma_start3A_169 = arith.constant 0 : i32
        %dma_start3A_170 = tpu.memref_slice %arg2[%dma_start3A_168, %dma_start3A_169] : memref<20000x64xi32, #tpu.memory_space<hbm>> -> memref<20000x64xi32, #tpu.memory_space<hbm>>
        tpu.enqueue_indirect_dma source(%dma_start3A_170 : memref<20000x64xi32, #tpu.memory_space<hbm>>) target(%arg8 : memref<128x64xi32, #tpu.memory_space<vmem>>) offsets(%dma_start3A_167 : memref<128xi32, #tpu.memory_space<vmem>>) semaphore(%arg18 : memref<!tpu.dma_semaphore, #tpu.memory_space<semaphore_mem>>)
        %mul3A_171 = arith.constant 128 : i32
        %mul3A_172 = arith.muli %sub3A_164, %mul3A_171 : i32
        %dma_start3A_173 = tpu.memref_slice %arg7[%mul3A_172] : memref<10240xi32, #tpu.memory_space<vmem>> -> memref<128xi32, #tpu.memory_space<vmem>>
        %dma_start3A_174 = arith.constant 0 : i32
        %dma_start3A_175 = arith.constant 0 : i32
        %dma_start3A_176 = tpu.memref_slice %arg2[%dma_start3A_174, %dma_start3A_175] : memref<20000x64xi32, #tpu.memory_space<hbm>> -> memref<20000x64xi32, #tpu.memory_space<hbm>>
        tpu.enqueue_indirect_dma source(%dma_start3A_176 : memref<20000x64xi32, #tpu.memory_space<hbm>>) target(%arg12 : memref<128x64xi32, #tpu.memory_space<vmem>>) offsets(%dma_start3A_173 : memref<128xi32, #tpu.memory_space<vmem>>) semaphore(%arg22 : memref<!tpu.dma_semaphore, #tpu.memory_space<semaphore_mem>>)
      } else {
      }
      %mul3A_90 = arith.constant 128 : i32
      %mul3A_91 = arith.muli %add3A_80, %mul3A_90 : i32
      %dma_wait3A_92 = tpu.memref_slice %arg6[%mul3A_91] : memref<10240xi32, #tpu.memory_space<vmem>> -> memref<128xi32, #tpu.memory_space<vmem>>
      %dma_wait3A_93 = arith.constant 0 : i32
      %dma_wait3A_94 = arith.constant 0 : i32
      %dma_wait3A_95 = tpu.memref_slice %arg2[%dma_wait3A_93, %dma_wait3A_94] : memref<20000x64xi32, #tpu.memory_space<hbm>> -> memref<20000x64xi32, #tpu.memory_space<hbm>>
      tpu.wait_indirect_dma semaphore(%arg19 : memref<!tpu.dma_semaphore, #tpu.memory_space<semaphore_mem>>) src(%dma_wait3A_95 : memref<20000x64xi32, #tpu.memory_space<hbm>>) dst(%arg9 : memref<128x64xi32, #tpu.memory_space<vmem>>)
      %mul3A_96 = arith.constant 128 : i32
      %mul3A_97 = arith.muli %add3A_80, %mul3A_96 : i32
      %dma_wait3A_98 = tpu.memref_slice %arg7[%mul3A_97] : memref<10240xi32, #tpu.memory_space<vmem>> -> memref<128xi32, #tpu.memory_space<vmem>>
      %dma_wait3A_99 = arith.constant 0 : i32
      %dma_wait3A_100 = arith.constant 0 : i32
      %dma_wait3A_101 = tpu.memref_slice %arg2[%dma_wait3A_99, %dma_wait3A_100] : memref<20000x64xi32, #tpu.memory_space<hbm>> -> memref<20000x64xi32, #tpu.memory_space<hbm>>
      tpu.wait_indirect_dma semaphore(%arg23 : memref<!tpu.dma_semaphore, #tpu.memory_space<semaphore_mem>>) src(%dma_wait3A_101 : memref<20000x64xi32, #tpu.memory_space<hbm>>) dst(%arg13 : memref<128x64xi32, #tpu.memory_space<vmem>>)
      %parallel_loop3A_102 = arith.constant 0 : i32
      %parallel_loop3A_103 = arith.constant 128 : i32
      %parallel_loop3A_104 = arith.constant 1 : i32
      scf.for %parallel_loop3A_161 = %parallel_loop3A_102 to %parallel_loop3A_103 step %parallel_loop3A_104  : i32 {
        %parallel_loop3A_162 = arith.index_cast %parallel_loop3A_161 : i32 to index
        %parallel_loop3A_163 = arith.constant 0 : index
        %parallel_loop3A_164 = tpu.vector_load %arg9[%parallel_loop3A_162, %parallel_loop3A_163] {strides = array<i32>} : memref<128x64xi32, #tpu.memory_space<vmem>>, vector<16xi32>,
        %parallel_loop3A_165 = vector.bitcast %parallel_loop3A_164 : vector<16xi32> to vector<32xbf16>
        %parallel_loop3A_166 = arith.index_cast %parallel_loop3A_161 : i32 to index
        %parallel_loop3A_167 = arith.constant 0 : index
        %parallel_loop3A_168 = tpu.vector_load %arg13[%parallel_loop3A_166, %parallel_loop3A_167] {strides = array<i32>} : memref<128x64xi32, #tpu.memory_space<vmem>>, vector<16xi32>,
        %parallel_loop3A_169 = vector.bitcast %parallel_loop3A_168 : vector<16xi32> to vector<32xbf16>
        %parallel_loop3A_170 = arith.subf %parallel_loop3A_165, %parallel_loop3A_169 : vector<32xbf16>
        %parallel_loop3A_171 = arith.constant 0.000000e+00 : bf16
        %parallel_loop3A_172 = vector.broadcast %parallel_loop3A_171 : bf16 to vector<32xbf16>
        %parallel_loop3A_173 = arith.maximumf %parallel_loop3A_170, %parallel_loop3A_172 : vector<32xbf16>
        %parallel_loop3A_174 = arith.mulf %parallel_loop3A_173, %bitcast3A : vector<32xbf16>
        %parallel_loop3A_175 = arith.index_cast %parallel_loop3A_161 : i32 to index
        %parallel_loop3A_176 = arith.constant 16 : index
        %parallel_loop3A_177 = tpu.vector_load %arg9[%parallel_loop3A_175, %parallel_loop3A_176] {strides = array<i32>} : memref<128x64xi32, #tpu.memory_space<vmem>>, vector<16xi32>,
        %parallel_loop3A_178 = vector.bitcast %parallel_loop3A_177 : vector<16xi32> to vector<32xbf16>
        %parallel_loop3A_179 = arith.index_cast %parallel_loop3A_161 : i32 to index
        %parallel_loop3A_180 = arith.constant 16 : index
        %parallel_loop3A_181 = tpu.vector_load %arg13[%parallel_loop3A_179, %parallel_loop3A_180] {strides = array<i32>} : memref<128x64xi32, #tpu.memory_space<vmem>>, vector<16xi32>,
        %parallel_loop3A_182 = vector.bitcast %parallel_loop3A_181 : vector<16xi32> to vector<32xbf16>
        %parallel_loop3A_183 = arith.subf %parallel_loop3A_178, %parallel_loop3A_182 : vector<32xbf16>
        %parallel_loop3A_184 = arith.constant 0.000000e+00 : bf16
        %parallel_loop3A_185 = vector.broadcast %parallel_loop3A_184 : bf16 to vector<32xbf16>
        %parallel_loop3A_186 = arith.maximumf %parallel_loop3A_183, %parallel_loop3A_185 : vector<32xbf16>
        %parallel_loop3A_187 = arith.mulf %parallel_loop3A_186, %bitcast3A_10 : vector<32xbf16>
        %parallel_loop3A_188 = arith.index_cast %parallel_loop3A_161 : i32 to index
        %parallel_loop3A_189 = arith.constant 32 : index
        %parallel_loop3A_190 = tpu.vector_load %arg9[%parallel_loop3A_188, %parallel_loop3A_189] {strides = array<i32>} : memref<128x64xi32, #tpu.memory_space<vmem>>, vector<16xi32>,
        %parallel_loop3A_191 = vector.bitcast %parallel_loop3A_190 : vector<16xi32> to vector<32xbf16>
        %parallel_loop3A_192 = arith.index_cast %parallel_loop3A_161 : i32 to index
        %parallel_loop3A_193 = arith.constant 32 : index
        %parallel_loop3A_194 = tpu.vector_load %arg13[%parallel_loop3A_192, %parallel_loop3A_193] {strides = array<i32>} : memref<128x64xi32, #tpu.memory_space<vmem>>, vector<16xi32>,
        %parallel_loop3A_195 = vector.bitcast %parallel_loop3A_194 : vector<16xi32> to vector<32xbf16>
        %parallel_loop3A_196 = arith.subf %parallel_loop3A_191, %parallel_loop3A_195 : vector<32xbf16>
        %parallel_loop3A_197 = arith.constant 0.000000e+00 : bf16
        %parallel_loop3A_198 = vector.broadcast %parallel_loop3A_197 : bf16 to vector<32xbf16>
        %parallel_loop3A_199 = arith.maximumf %parallel_loop3A_196, %parallel_loop3A_198 : vector<32xbf16>
        %parallel_loop3A_200 = arith.mulf %parallel_loop3A_199, %bitcast3A_13 : vector<32xbf16>
        %parallel_loop3A_201 = arith.index_cast %parallel_loop3A_161 : i32 to index
        %parallel_loop3A_202 = arith.constant 48 : index
        %parallel_loop3A_203 = tpu.vector_load %arg9[%parallel_loop3A_201, %parallel_loop3A_202] {strides = array<i32>} : memref<128x64xi32, #tpu.memory_space<vmem>>, vector<16xi32>,
        %parallel_loop3A_204 = vector.bitcast %parallel_loop3A_203 : vector<16xi32> to vector<32xbf16>
        %parallel_loop3A_205 = arith.index_cast %parallel_loop3A_161 : i32 to index
        %parallel_loop3A_206 = arith.constant 48 : index
        %parallel_loop3A_207 = tpu.vector_load %arg13[%parallel_loop3A_205, %parallel_loop3A_206] {strides = array<i32>} : memref<128x64xi32, #tpu.memory_space<vmem>>, vector<16xi32>,
        %parallel_loop3A_208 = vector.bitcast %parallel_loop3A_207 : vector<16xi32> to vector<32xbf16>
        %parallel_loop3A_209 = arith.subf %parallel_loop3A_204, %parallel_loop3A_208 : vector<32xbf16>
        %parallel_loop3A_210 = arith.constant 0.000000e+00 : bf16
        %parallel_loop3A_211 = vector.broadcast %parallel_loop3A_210 : bf16 to vector<32xbf16>
        %parallel_loop3A_212 = arith.maximumf %parallel_loop3A_209, %parallel_loop3A_211 : vector<32xbf16>
        %parallel_loop3A_213 = arith.mulf %parallel_loop3A_212, %bitcast3A_16 : vector<32xbf16>
        %parallel_loop3A_214 = arith.addf %parallel_loop3A_174, %parallel_loop3A_187 : vector<32xbf16>
        %parallel_loop3A_215 = arith.addf %parallel_loop3A_200, %parallel_loop3A_213 : vector<32xbf16>
        %parallel_loop3A_216 = arith.addf %parallel_loop3A_214, %parallel_loop3A_215 : vector<32xbf16>
        %parallel_loop3A_217 = tpu.unpack_subelements %parallel_loop3A_216, 0 {pack_format = #tpu.pack_format<interleaved>} : vector<32xbf16> -> vector<16xf32>
        %parallel_loop3A_218 = tpu.unpack_subelements %parallel_loop3A_216, 1 {pack_format = #tpu.pack_format<interleaved>} : vector<32xbf16> -> vector<16xf32>
        %parallel_loop3A_219 = arith.addf %parallel_loop3A_217, %parallel_loop3A_218 : vector<16xf32>
        %parallel_loop3A_220 = arith.constant true
        %parallel_loop3A_221 = vector.broadcast %parallel_loop3A_220 : i1 to vector<16xi1>
        %parallel_loop3A_222 = tpu.scan <sum>, %parallel_loop3A_219 masked %parallel_loop3A_221 : vector<16xf32>, vector<16xi1> -> vector<16xf32>
        %parallel_loop3A_223 = arith.constant 128 : i32
        %parallel_loop3A_224 = arith.muli %add3A_80, %parallel_loop3A_223 : i32
        %parallel_loop3A_225 = arith.addi %parallel_loop3A_224, %parallel_loop3A_161 : i32
        %parallel_loop3A_226 = vector.broadcast %parallel_loop3A_225 : i32 to vector<16xi32>
        tpu.vector_store_idx %arg16[%parallel_loop3A_226], %parallel_loop3A_222 masked %eq3A_18 : memref<10240xf32, #tpu.memory_space<vmem>>[vector<16xi32>], vector<16xf32>, vector<16xi1>
      } {sc.loop_unroll_factor = 8 : i64, sc.parallel_access}
      %mul3A_105 = arith.constant 4 : i32
      %mul3A_106 = arith.muli %mul3A_105, %scan3A_53 : i32
      %add3A_107 = arith.constant 2 : i32
      %add3A_108 = arith.addi %mul3A_106, %add3A_107 : i32
      %add3A_109 = arith.constant 4 : i32
      %add3A_110 = arith.addi %add3A_108, %add3A_109 : i32
      %sub3A_111 = arith.constant 1 : i32
      %sub3A_112 = arith.subi %add3A_110, %sub3A_111 : i32
      %lt3A_113 = arith.constant 80 : i32
      %lt3A_114 = arith.cmpi slt, %sub3A_112, %lt3A_113 : i32
      %convert_element_type3A_115 = arith.extui %lt3A_114 : i1 to i32
      %cond3A_116 = arith.constant 0 : i32
      %cond3A_117 = arith.cmpi ne, %convert_element_type3A_115, %cond3A_116 : i32
      scf.if %cond3A_117 {
        %add3A_161 = arith.constant 4 : i32
        %add3A_162 = arith.addi %add3A_108, %add3A_161 : i32
        %sub3A_163 = arith.constant 1 : i32
        %sub3A_164 = arith.subi %add3A_162, %sub3A_163 : i32
        %mul3A_165 = arith.constant 128 : i32
        %mul3A_166 = arith.muli %sub3A_164, %mul3A_165 : i32
        %dma_start3A_167 = tpu.memref_slice %arg6[%mul3A_166] : memref<10240xi32, #tpu.memory_space<vmem>> -> memref<128xi32, #tpu.memory_space<vmem>>
        %dma_start3A_168 = arith.constant 0 : i32
        %dma_start3A_169 = arith.constant 0 : i32
        %dma_start3A_170 = tpu.memref_slice %arg2[%dma_start3A_168, %dma_start3A_169] : memref<20000x64xi32, #tpu.memory_space<hbm>> -> memref<20000x64xi32, #tpu.memory_space<hbm>>
        tpu.enqueue_indirect_dma source(%dma_start3A_170 : memref<20000x64xi32, #tpu.memory_space<hbm>>) target(%arg9 : memref<128x64xi32, #tpu.memory_space<vmem>>) offsets(%dma_start3A_167 : memref<128xi32, #tpu.memory_space<vmem>>) semaphore(%arg19 : memref<!tpu.dma_semaphore, #tpu.memory_space<semaphore_mem>>)
        %mul3A_171 = arith.constant 128 : i32
        %mul3A_172 = arith.muli %sub3A_164, %mul3A_171 : i32
        %dma_start3A_173 = tpu.memref_slice %arg7[%mul3A_172] : memref<10240xi32, #tpu.memory_space<vmem>> -> memref<128xi32, #tpu.memory_space<vmem>>
        %dma_start3A_174 = arith.constant 0 : i32
        %dma_start3A_175 = arith.constant 0 : i32
        %dma_start3A_176 = tpu.memref_slice %arg2[%dma_start3A_174, %dma_start3A_175] : memref<20000x64xi32, #tpu.memory_space<hbm>> -> memref<20000x64xi32, #tpu.memory_space<hbm>>
        tpu.enqueue_indirect_dma source(%dma_start3A_176 : memref<20000x64xi32, #tpu.memory_space<hbm>>) target(%arg13 : memref<128x64xi32, #tpu.memory_space<vmem>>) offsets(%dma_start3A_173 : memref<128xi32, #tpu.memory_space<vmem>>) semaphore(%arg23 : memref<!tpu.dma_semaphore, #tpu.memory_space<semaphore_mem>>)
      } else {
      }
      %mul3A_118 = arith.constant 128 : i32
      %mul3A_119 = arith.muli %add3A_108, %mul3A_118 : i32
      %dma_wait3A_120 = tpu.memref_slice %arg6[%mul3A_119] : memref<10240xi32, #tpu.memory_space<vmem>> -> memref<128xi32, #tpu.memory_space<vmem>>
      %dma_wait3A_121 = arith.constant 0 : i32
      %dma_wait3A_122 = arith.constant 0 : i32
      %dma_wait3A_123 = tpu.memref_slice %arg2[%dma_wait3A_121, %dma_wait3A_122] : memref<20000x64xi32, #tpu.memory_space<hbm>> -> memref<20000x64xi32, #tpu.memory_space<hbm>>
      tpu.wait_indirect_dma semaphore(%arg20 : memref<!tpu.dma_semaphore, #tpu.memory_space<semaphore_mem>>) src(%dma_wait3A_123 : memref<20000x64xi32, #tpu.memory_space<hbm>>) dst(%arg10 : memref<128x64xi32, #tpu.memory_space<vmem>>)
      %mul3A_124 = arith.constant 128 : i32
      %mul3A_125 = arith.muli %add3A_108, %mul3A_124 : i32
      %dma_wait3A_126 = tpu.memref_slice %arg7[%mul3A_125] : memref<10240xi32, #tpu.memory_space<vmem>> -> memref<128xi32, #tpu.memory_space<vmem>>
      %dma_wait3A_127 = arith.constant 0 : i32
      %dma_wait3A_128 = arith.constant 0 : i32
      %dma_wait3A_129 = tpu.memref_slice %arg2[%dma_wait3A_127, %dma_wait3A_128] : memref<20000x64xi32, #tpu.memory_space<hbm>> -> memref<20000x64xi32, #tpu.memory_space<hbm>>
      tpu.wait_indirect_dma semaphore(%arg24 : memref<!tpu.dma_semaphore, #tpu.memory_space<semaphore_mem>>) src(%dma_wait3A_129 : memref<20000x64xi32, #tpu.memory_space<hbm>>) dst(%arg14 : memref<128x64xi32, #tpu.memory_space<vmem>>)
      %parallel_loop3A_130 = arith.constant 0 : i32
      %parallel_loop3A_131 = arith.constant 128 : i32
      %parallel_loop3A_132 = arith.constant 1 : i32
      scf.for %parallel_loop3A_161 = %parallel_loop3A_130 to %parallel_loop3A_131 step %parallel_loop3A_132  : i32 {
        %parallel_loop3A_162 = arith.index_cast %parallel_loop3A_161 : i32 to index
        %parallel_loop3A_163 = arith.constant 0 : index
        %parallel_loop3A_164 = tpu.vector_load %arg10[%parallel_loop3A_162, %parallel_loop3A_163] {strides = array<i32>} : memref<128x64xi32, #tpu.memory_space<vmem>>, vector<16xi32>,
        %parallel_loop3A_165 = vector.bitcast %parallel_loop3A_164 : vector<16xi32> to vector<32xbf16>
        %parallel_loop3A_166 = arith.index_cast %parallel_loop3A_161 : i32 to index
        %parallel_loop3A_167 = arith.constant 0 : index
        %parallel_loop3A_168 = tpu.vector_load %arg14[%parallel_loop3A_166, %parallel_loop3A_167] {strides = array<i32>} : memref<128x64xi32, #tpu.memory_space<vmem>>, vector<16xi32>,
        %parallel_loop3A_169 = vector.bitcast %parallel_loop3A_168 : vector<16xi32> to vector<32xbf16>
        %parallel_loop3A_170 = arith.subf %parallel_loop3A_165, %parallel_loop3A_169 : vector<32xbf16>
        %parallel_loop3A_171 = arith.constant 0.000000e+00 : bf16
        %parallel_loop3A_172 = vector.broadcast %parallel_loop3A_171 : bf16 to vector<32xbf16>
        %parallel_loop3A_173 = arith.maximumf %parallel_loop3A_170, %parallel_loop3A_172 : vector<32xbf16>
        %parallel_loop3A_174 = arith.mulf %parallel_loop3A_173, %bitcast3A : vector<32xbf16>
        %parallel_loop3A_175 = arith.index_cast %parallel_loop3A_161 : i32 to index
        %parallel_loop3A_176 = arith.constant 16 : index
        %parallel_loop3A_177 = tpu.vector_load %arg10[%parallel_loop3A_175, %parallel_loop3A_176] {strides = array<i32>} : memref<128x64xi32, #tpu.memory_space<vmem>>, vector<16xi32>,
        %parallel_loop3A_178 = vector.bitcast %parallel_loop3A_177 : vector<16xi32> to vector<32xbf16>
        %parallel_loop3A_179 = arith.index_cast %parallel_loop3A_161 : i32 to index
        %parallel_loop3A_180 = arith.constant 16 : index
        %parallel_loop3A_181 = tpu.vector_load %arg14[%parallel_loop3A_179, %parallel_loop3A_180] {strides = array<i32>} : memref<128x64xi32, #tpu.memory_space<vmem>>, vector<16xi32>,
        %parallel_loop3A_182 = vector.bitcast %parallel_loop3A_181 : vector<16xi32> to vector<32xbf16>
        %parallel_loop3A_183 = arith.subf %parallel_loop3A_178, %parallel_loop3A_182 : vector<32xbf16>
        %parallel_loop3A_184 = arith.constant 0.000000e+00 : bf16
        %parallel_loop3A_185 = vector.broadcast %parallel_loop3A_184 : bf16 to vector<32xbf16>
        %parallel_loop3A_186 = arith.maximumf %parallel_loop3A_183, %parallel_loop3A_185 : vector<32xbf16>
        %parallel_loop3A_187 = arith.mulf %parallel_loop3A_186, %bitcast3A_10 : vector<32xbf16>
        %parallel_loop3A_188 = arith.index_cast %parallel_loop3A_161 : i32 to index
        %parallel_loop3A_189 = arith.constant 32 : index
        %parallel_loop3A_190 = tpu.vector_load %arg10[%parallel_loop3A_188, %parallel_loop3A_189] {strides = array<i32>} : memref<128x64xi32, #tpu.memory_space<vmem>>, vector<16xi32>,
        %parallel_loop3A_191 = vector.bitcast %parallel_loop3A_190 : vector<16xi32> to vector<32xbf16>
        %parallel_loop3A_192 = arith.index_cast %parallel_loop3A_161 : i32 to index
        %parallel_loop3A_193 = arith.constant 32 : index
        %parallel_loop3A_194 = tpu.vector_load %arg14[%parallel_loop3A_192, %parallel_loop3A_193] {strides = array<i32>} : memref<128x64xi32, #tpu.memory_space<vmem>>, vector<16xi32>,
        %parallel_loop3A_195 = vector.bitcast %parallel_loop3A_194 : vector<16xi32> to vector<32xbf16>
        %parallel_loop3A_196 = arith.subf %parallel_loop3A_191, %parallel_loop3A_195 : vector<32xbf16>
        %parallel_loop3A_197 = arith.constant 0.000000e+00 : bf16
        %parallel_loop3A_198 = vector.broadcast %parallel_loop3A_197 : bf16 to vector<32xbf16>
        %parallel_loop3A_199 = arith.maximumf %parallel_loop3A_196, %parallel_loop3A_198 : vector<32xbf16>
        %parallel_loop3A_200 = arith.mulf %parallel_loop3A_199, %bitcast3A_13 : vector<32xbf16>
        %parallel_loop3A_201 = arith.index_cast %parallel_loop3A_161 : i32 to index
        %parallel_loop3A_202 = arith.constant 48 : index
        %parallel_loop3A_203 = tpu.vector_load %arg10[%parallel_loop3A_201, %parallel_loop3A_202] {strides = array<i32>} : memref<128x64xi32, #tpu.memory_space<vmem>>, vector<16xi32>,
        %parallel_loop3A_204 = vector.bitcast %parallel_loop3A_203 : vector<16xi32> to vector<32xbf16>
        %parallel_loop3A_205 = arith.index_cast %parallel_loop3A_161 : i32 to index
        %parallel_loop3A_206 = arith.constant 48 : index
        %parallel_loop3A_207 = tpu.vector_load %arg14[%parallel_loop3A_205, %parallel_loop3A_206] {strides = array<i32>} : memref<128x64xi32, #tpu.memory_space<vmem>>, vector<16xi32>,
        %parallel_loop3A_208 = vector.bitcast %parallel_loop3A_207 : vector<16xi32> to vector<32xbf16>
        %parallel_loop3A_209 = arith.subf %parallel_loop3A_204, %parallel_loop3A_208 : vector<32xbf16>
        %parallel_loop3A_210 = arith.constant 0.000000e+00 : bf16
        %parallel_loop3A_211 = vector.broadcast %parallel_loop3A_210 : bf16 to vector<32xbf16>
        %parallel_loop3A_212 = arith.maximumf %parallel_loop3A_209, %parallel_loop3A_211 : vector<32xbf16>
        %parallel_loop3A_213 = arith.mulf %parallel_loop3A_212, %bitcast3A_16 : vector<32xbf16>
        %parallel_loop3A_214 = arith.addf %parallel_loop3A_174, %parallel_loop3A_187 : vector<32xbf16>
        %parallel_loop3A_215 = arith.addf %parallel_loop3A_200, %parallel_loop3A_213 : vector<32xbf16>
        %parallel_loop3A_216 = arith.addf %parallel_loop3A_214, %parallel_loop3A_215 : vector<32xbf16>
        %parallel_loop3A_217 = tpu.unpack_subelements %parallel_loop3A_216, 0 {pack_format = #tpu.pack_format<interleaved>} : vector<32xbf16> -> vector<16xf32>
        %parallel_loop3A_218 = tpu.unpack_subelements %parallel_loop3A_216, 1 {pack_format = #tpu.pack_format<interleaved>} : vector<32xbf16> -> vector<16xf32>
        %parallel_loop3A_219 = arith.addf %parallel_loop3A_217, %parallel_loop3A_218 : vector<16xf32>
        %parallel_loop3A_220 = arith.constant true
        %parallel_loop3A_221 = vector.broadcast %parallel_loop3A_220 : i1 to vector<16xi1>
        %parallel_loop3A_222 = tpu.scan <sum>, %parallel_loop3A_219 masked %parallel_loop3A_221 : vector<16xf32>, vector<16xi1> -> vector<16xf32>
        %parallel_loop3A_223 = arith.constant 128 : i32
        %parallel_loop3A_224 = arith.muli %add3A_108, %parallel_loop3A_223 : i32
        %parallel_loop3A_225 = arith.addi %parallel_loop3A_224, %parallel_loop3A_161 : i32
        %parallel_loop3A_226 = vector.broadcast %parallel_loop3A_225 : i32 to vector<16xi32>
        tpu.vector_store_idx %arg16[%parallel_loop3A_226], %parallel_loop3A_222 masked %eq3A_18 : memref<10240xf32, #tpu.memory_space<vmem>>[vector<16xi32>], vector<16xf32>, vector<16xi1>
      } {sc.loop_unroll_factor = 8 : i64, sc.parallel_access}
      %mul3A_133 = arith.constant 4 : i32
      %mul3A_134 = arith.muli %mul3A_133, %scan3A_53 : i32
      %add3A_135 = arith.constant 3 : i32
      %add3A_136 = arith.addi %mul3A_134, %add3A_135 : i32
      %add3A_137 = arith.constant 4 : i32
      %add3A_138 = arith.addi %add3A_136, %add3A_137 : i32
      %sub3A_139 = arith.constant 1 : i32
      %sub3A_140 = arith.subi %add3A_138, %sub3A_139 : i32
      %lt3A_141 = arith.constant 80 : i32
      %lt3A_142 = arith.cmpi slt, %sub3A_140, %lt3A_141 : i32
      %convert_element_type3A_143 = arith.extui %lt3A_142 : i1 to i32
      %cond3A_144 = arith.constant 0 : i32
      %cond3A_145 = arith.cmpi ne, %convert_element_type3A_143, %cond3A_144 : i32
      scf.if %cond3A_145 {
        %add3A_161 = arith.constant 4 : i32
        %add3A_162 = arith.addi %add3A_136, %add3A_161 : i32
        %sub3A_163 = arith.constant 1 : i32
        %sub3A_164 = arith.subi %add3A_162, %sub3A_163 : i32
        %mul3A_165 = arith.constant 128 : i32
        %mul3A_166 = arith.muli %sub3A_164, %mul3A_165 : i32
        %dma_start3A_167 = tpu.memref_slice %arg6[%mul3A_166] : memref<10240xi32, #tpu.memory_space<vmem>> -> memref<128xi32, #tpu.memory_space<vmem>>
        %dma_start3A_168 = arith.constant 0 : i32
        %dma_start3A_169 = arith.constant 0 : i32
        %dma_start3A_170 = tpu.memref_slice %arg2[%dma_start3A_168, %dma_start3A_169] : memref<20000x64xi32, #tpu.memory_space<hbm>> -> memref<20000x64xi32, #tpu.memory_space<hbm>>
        tpu.enqueue_indirect_dma source(%dma_start3A_170 : memref<20000x64xi32, #tpu.memory_space<hbm>>) target(%arg10 : memref<128x64xi32, #tpu.memory_space<vmem>>) offsets(%dma_start3A_167 : memref<128xi32, #tpu.memory_space<vmem>>) semaphore(%arg20 : memref<!tpu.dma_semaphore, #tpu.memory_space<semaphore_mem>>)
        %mul3A_171 = arith.constant 128 : i32
        %mul3A_172 = arith.muli %sub3A_164, %mul3A_171 : i32
        %dma_start3A_173 = tpu.memref_slice %arg7[%mul3A_172] : memref<10240xi32, #tpu.memory_space<vmem>> -> memref<128xi32, #tpu.memory_space<vmem>>
        %dma_start3A_174 = arith.constant 0 : i32
        %dma_start3A_175 = arith.constant 0 : i32
        %dma_start3A_176 = tpu.memref_slice %arg2[%dma_start3A_174, %dma_start3A_175] : memref<20000x64xi32, #tpu.memory_space<hbm>> -> memref<20000x64xi32, #tpu.memory_space<hbm>>
        tpu.enqueue_indirect_dma source(%dma_start3A_176 : memref<20000x64xi32, #tpu.memory_space<hbm>>) target(%arg14 : memref<128x64xi32, #tpu.memory_space<vmem>>) offsets(%dma_start3A_173 : memref<128xi32, #tpu.memory_space<vmem>>) semaphore(%arg24 : memref<!tpu.dma_semaphore, #tpu.memory_space<semaphore_mem>>)
      } else {
      }
      %mul3A_146 = arith.constant 128 : i32
      %mul3A_147 = arith.muli %add3A_136, %mul3A_146 : i32
      %dma_wait3A_148 = tpu.memref_slice %arg6[%mul3A_147] : memref<10240xi32, #tpu.memory_space<vmem>> -> memref<128xi32, #tpu.memory_space<vmem>>
      %dma_wait3A_149 = arith.constant 0 : i32
      %dma_wait3A_150 = arith.constant 0 : i32
      %dma_wait3A_151 = tpu.memref_slice %arg2[%dma_wait3A_149, %dma_wait3A_150] : memref<20000x64xi32, #tpu.memory_space<hbm>> -> memref<20000x64xi32, #tpu.memory_space<hbm>>
      tpu.wait_indirect_dma semaphore(%arg21 : memref<!tpu.dma_semaphore, #tpu.memory_space<semaphore_mem>>) src(%dma_wait3A_151 : memref<20000x64xi32, #tpu.memory_space<hbm>>) dst(%arg11 : memref<128x64xi32, #tpu.memory_space<vmem>>)
      %mul3A_152 = arith.constant 128 : i32
      %mul3A_153 = arith.muli %add3A_136, %mul3A_152 : i32
      %dma_wait3A_154 = tpu.memref_slice %arg7[%mul3A_153] : memref<10240xi32, #tpu.memory_space<vmem>> -> memref<128xi32, #tpu.memory_space<vmem>>
      %dma_wait3A_155 = arith.constant 0 : i32
      %dma_wait3A_156 = arith.constant 0 : i32
      %dma_wait3A_157 = tpu.memref_slice %arg2[%dma_wait3A_155, %dma_wait3A_156] : memref<20000x64xi32, #tpu.memory_space<hbm>> -> memref<20000x64xi32, #tpu.memory_space<hbm>>
      tpu.wait_indirect_dma semaphore(%arg25 : memref<!tpu.dma_semaphore, #tpu.memory_space<semaphore_mem>>) src(%dma_wait3A_157 : memref<20000x64xi32, #tpu.memory_space<hbm>>) dst(%arg15 : memref<128x64xi32, #tpu.memory_space<vmem>>)
      %parallel_loop3A_158 = arith.constant 0 : i32
      %parallel_loop3A_159 = arith.constant 128 : i32
      %parallel_loop3A_160 = arith.constant 1 : i32
      scf.for %parallel_loop3A_161 = %parallel_loop3A_158 to %parallel_loop3A_159 step %parallel_loop3A_160  : i32 {
        %parallel_loop3A_162 = arith.index_cast %parallel_loop3A_161 : i32 to index
        %parallel_loop3A_163 = arith.constant 0 : index
        %parallel_loop3A_164 = tpu.vector_load %arg11[%parallel_loop3A_162, %parallel_loop3A_163] {strides = array<i32>} : memref<128x64xi32, #tpu.memory_space<vmem>>, vector<16xi32>,
        %parallel_loop3A_165 = vector.bitcast %parallel_loop3A_164 : vector<16xi32> to vector<32xbf16>
        %parallel_loop3A_166 = arith.index_cast %parallel_loop3A_161 : i32 to index
        %parallel_loop3A_167 = arith.constant 0 : index
        %parallel_loop3A_168 = tpu.vector_load %arg15[%parallel_loop3A_166, %parallel_loop3A_167] {strides = array<i32>} : memref<128x64xi32, #tpu.memory_space<vmem>>, vector<16xi32>,
        %parallel_loop3A_169 = vector.bitcast %parallel_loop3A_168 : vector<16xi32> to vector<32xbf16>
        %parallel_loop3A_170 = arith.subf %parallel_loop3A_165, %parallel_loop3A_169 : vector<32xbf16>
        %parallel_loop3A_171 = arith.constant 0.000000e+00 : bf16
        %parallel_loop3A_172 = vector.broadcast %parallel_loop3A_171 : bf16 to vector<32xbf16>
        %parallel_loop3A_173 = arith.maximumf %parallel_loop3A_170, %parallel_loop3A_172 : vector<32xbf16>
        %parallel_loop3A_174 = arith.mulf %parallel_loop3A_173, %bitcast3A : vector<32xbf16>
        %parallel_loop3A_175 = arith.index_cast %parallel_loop3A_161 : i32 to index
        %parallel_loop3A_176 = arith.constant 16 : index
        %parallel_loop3A_177 = tpu.vector_load %arg11[%parallel_loop3A_175, %parallel_loop3A_176] {strides = array<i32>} : memref<128x64xi32, #tpu.memory_space<vmem>>, vector<16xi32>,
        %parallel_loop3A_178 = vector.bitcast %parallel_loop3A_177 : vector<16xi32> to vector<32xbf16>
        %parallel_loop3A_179 = arith.index_cast %parallel_loop3A_161 : i32 to index
        %parallel_loop3A_180 = arith.constant 16 : index
        %parallel_loop3A_181 = tpu.vector_load %arg15[%parallel_loop3A_179, %parallel_loop3A_180] {strides = array<i32>} : memref<128x64xi32, #tpu.memory_space<vmem>>, vector<16xi32>,
        %parallel_loop3A_182 = vector.bitcast %parallel_loop3A_181 : vector<16xi32> to vector<32xbf16>
        %parallel_loop3A_183 = arith.subf %parallel_loop3A_178, %parallel_loop3A_182 : vector<32xbf16>
        %parallel_loop3A_184 = arith.constant 0.000000e+00 : bf16
        %parallel_loop3A_185 = vector.broadcast %parallel_loop3A_184 : bf16 to vector<32xbf16>
        %parallel_loop3A_186 = arith.maximumf %parallel_loop3A_183, %parallel_loop3A_185 : vector<32xbf16>
        %parallel_loop3A_187 = arith.mulf %parallel_loop3A_186, %bitcast3A_10 : vector<32xbf16>
        %parallel_loop3A_188 = arith.index_cast %parallel_loop3A_161 : i32 to index
        %parallel_loop3A_189 = arith.constant 32 : index
        %parallel_loop3A_190 = tpu.vector_load %arg11[%parallel_loop3A_188, %parallel_loop3A_189] {strides = array<i32>} : memref<128x64xi32, #tpu.memory_space<vmem>>, vector<16xi32>,
        %parallel_loop3A_191 = vector.bitcast %parallel_loop3A_190 : vector<16xi32> to vector<32xbf16>
        %parallel_loop3A_192 = arith.index_cast %parallel_loop3A_161 : i32 to index
        %parallel_loop3A_193 = arith.constant 32 : index
        %parallel_loop3A_194 = tpu.vector_load %arg15[%parallel_loop3A_192, %parallel_loop3A_193] {strides = array<i32>} : memref<128x64xi32, #tpu.memory_space<vmem>>, vector<16xi32>,
        %parallel_loop3A_195 = vector.bitcast %parallel_loop3A_194 : vector<16xi32> to vector<32xbf16>
        %parallel_loop3A_196 = arith.subf %parallel_loop3A_191, %parallel_loop3A_195 : vector<32xbf16>
        %parallel_loop3A_197 = arith.constant 0.000000e+00 : bf16
        %parallel_loop3A_198 = vector.broadcast %parallel_loop3A_197 : bf16 to vector<32xbf16>
        %parallel_loop3A_199 = arith.maximumf %parallel_loop3A_196, %parallel_loop3A_198 : vector<32xbf16>
        %parallel_loop3A_200 = arith.mulf %parallel_loop3A_199, %bitcast3A_13 : vector<32xbf16>
        %parallel_loop3A_201 = arith.index_cast %parallel_loop3A_161 : i32 to index
        %parallel_loop3A_202 = arith.constant 48 : index
        %parallel_loop3A_203 = tpu.vector_load %arg11[%parallel_loop3A_201, %parallel_loop3A_202] {strides = array<i32>} : memref<128x64xi32, #tpu.memory_space<vmem>>, vector<16xi32>,
        %parallel_loop3A_204 = vector.bitcast %parallel_loop3A_203 : vector<16xi32> to vector<32xbf16>
        %parallel_loop3A_205 = arith.index_cast %parallel_loop3A_161 : i32 to index
        %parallel_loop3A_206 = arith.constant 48 : index
        %parallel_loop3A_207 = tpu.vector_load %arg15[%parallel_loop3A_205, %parallel_loop3A_206] {strides = array<i32>} : memref<128x64xi32, #tpu.memory_space<vmem>>, vector<16xi32>,
        %parallel_loop3A_208 = vector.bitcast %parallel_loop3A_207 : vector<16xi32> to vector<32xbf16>
        %parallel_loop3A_209 = arith.subf %parallel_loop3A_204, %parallel_loop3A_208 : vector<32xbf16>
        %parallel_loop3A_210 = arith.constant 0.000000e+00 : bf16
        %parallel_loop3A_211 = vector.broadcast %parallel_loop3A_210 : bf16 to vector<32xbf16>
        %parallel_loop3A_212 = arith.maximumf %parallel_loop3A_209, %parallel_loop3A_211 : vector<32xbf16>
        %parallel_loop3A_213 = arith.mulf %parallel_loop3A_212, %bitcast3A_16 : vector<32xbf16>
        %parallel_loop3A_214 = arith.addf %parallel_loop3A_174, %parallel_loop3A_187 : vector<32xbf16>
        %parallel_loop3A_215 = arith.addf %parallel_loop3A_200, %parallel_loop3A_213 : vector<32xbf16>
        %parallel_loop3A_216 = arith.addf %parallel_loop3A_214, %parallel_loop3A_215 : vector<32xbf16>
        %parallel_loop3A_217 = tpu.unpack_subelements %parallel_loop3A_216, 0 {pack_format = #tpu.pack_format<interleaved>} : vector<32xbf16> -> vector<16xf32>
        %parallel_loop3A_218 = tpu.unpack_subelements %parallel_loop3A_216, 1 {pack_format = #tpu.pack_format<interleaved>} : vector<32xbf16> -> vector<16xf32>
        %parallel_loop3A_219 = arith.addf %parallel_loop3A_217, %parallel_loop3A_218 : vector<16xf32>
        %parallel_loop3A_220 = arith.constant true
        %parallel_loop3A_221 = vector.broadcast %parallel_loop3A_220 : i1 to vector<16xi1>
        %parallel_loop3A_222 = tpu.scan <sum>, %parallel_loop3A_219 masked %parallel_loop3A_221 : vector<16xf32>, vector<16xi1> -> vector<16xf32>
        %parallel_loop3A_223 = arith.constant 128 : i32
        %parallel_loop3A_224 = arith.muli %add3A_136, %parallel_loop3A_223 : i32
        %parallel_loop3A_225 = arith.addi %parallel_loop3A_224, %parallel_loop3A_161 : i32
        %parallel_loop3A_226 = vector.broadcast %parallel_loop3A_225 : i32 to vector<16xi32>
        tpu.vector_store_idx %arg16[%parallel_loop3A_226], %parallel_loop3A_222 masked %eq3A_18 : memref<10240xf32, #tpu.memory_space<vmem>>[vector<16xi32>], vector<16xf32>, vector<16xi1>
      } {sc.loop_unroll_factor = 8 : i64, sc.parallel_access}
    }
    %scan3A_52 = arith.constant 20 : i32
    "tpu.region"() ({
      %run_scoped3A_53 = tpu.sem_alloc : memref<!tpu.dma_semaphore, #tpu.memory_space<semaphore_mem>>
      %dma_start3A_54 = tpu.memref_slice %arg5[%min3A_3] : memref<320000xf32, #tpu.memory_space<hbm>> -> memref<10240xf32, #tpu.memory_space<hbm>>
      %dma_start3A_55 = tpu.memref_slice %arg5[%min3A_3] : memref<320000xf32, #tpu.memory_space<hbm>> -> memref<10240xf32, #tpu.memory_space<hbm>>
      tpu.enqueue_dma source(%arg16 : memref<10240xf32, #tpu.memory_space<vmem>>) target(%dma_start3A_55 : memref<10240xf32, #tpu.memory_space<hbm>>) target_semaphore(%run_scoped3A_53 : memref<!tpu.dma_semaphore, #tpu.memory_space<semaphore_mem>>)
      %dma_wait3A = tpu.memref_slice %arg5[%min3A_3] : memref<320000xf32, #tpu.memory_space<hbm>> -> memref<10240xf32, #tpu.memory_space<hbm>>
      %dma_wait3A_56 = tpu.memref_slice %arg5[%min3A_3] : memref<320000xf32, #tpu.memory_space<hbm>> -> memref<10240xf32, #tpu.memory_space<hbm>>
      tpu.wait_dma2 semaphore(%run_scoped3A_53 : memref<!tpu.dma_semaphore, #tpu.memory_space<semaphore_mem>>) src(%arg16 : memref<10240xf32, #tpu.memory_space<vmem>>) dst(%dma_wait3A_56 : memref<10240xf32, #tpu.memory_space<hbm>>)
      tpu.yield
    }) : () -> ()
    return
  }
}

module attributes {stable_mosaic.version = 14 : i64} {
  func.func @body(%arg0: i32, %arg1: memref<2000x128xf32, #tpu.memory_space<vmem>>, %arg2: memref<128x128xf32, #tpu.memory_space<vmem>>, %arg3: memref<128x128xf32, #tpu.memory_space<vmem>>, %arg4: memref<1x128xf32, #tpu.memory_space<vmem>>, %arg5: memref<256000xi32, #tpu.memory_space<vmem>>) attributes {dimension_semantics = [#tpu.dimension_semantics<arbitrary>], iteration_bounds = array<i64: 5>, scalar_prefetch = 0 : i64, scratch_operands = 0 : i64, tpu.core_type = #tpu.core_type<tc>, window_params = [{transform_indices = @transform_0, window_bounds = array<i64: 2000, 128>}, {pipeline_mode = #tpu.pipeline_mode<synchronous>, transform_indices = @transform_1, window_bounds = array<i64: 128, 128>}, {pipeline_mode = #tpu.pipeline_mode<synchronous>, transform_indices = @transform_2, window_bounds = array<i64: 128, 128>}, {pipeline_mode = #tpu.pipeline_mode<synchronous>, transform_indices = @transform_3, window_bounds = array<i64: 1, 128>}, {transform_indices = @transform_4, window_bounds = array<i64: 256000>}]} {
    %get3A = arith.constant 0 : index
    %get3A_0 = arith.constant 0 : index
    %get3A_1 = vector.load %arg1[%get3A, %get3A_0] : memref<2000x128xf32, #tpu.memory_space<vmem>>, vector<2000x128xf32>
    %get3A_2 = arith.constant 0 : index
    %get3A_3 = arith.constant 0 : index
    %get3A_4 = vector.load %arg2[%get3A_2, %get3A_3] : memref<128x128xf32, #tpu.memory_space<vmem>>, vector<128x128xf32>
    %dot_general3A = arith.constant dense<0.000000e+00> : vector<2000x128xf32>
    %dot_general3A_5 = tpu.matmul %get3A_1, %get3A_4, %dot_general3A {dimension_numbers = #tpu.dot_dimension_numbers<[1], [0], [0], [1], [0, 0, 1, 1], [], []>, transpose_lhs_hint = false} : vector<2000x128xf32>, vector<128x128xf32>, vector<2000x128xf32> -> vector<2000x128xf32>
    %get3A_6 = arith.constant 0 : index
    %get3A_7 = arith.constant 0 : index
    %get3A_8 = vector.load %arg4[%get3A_6, %get3A_7] : memref<1x128xf32, #tpu.memory_space<vmem>>, vector<1x128xf32>
    %add3A = vector.broadcast %get3A_8 : vector<1x128xf32> to vector<2000x128xf32>
    %add3A_9 = arith.addf %dot_general3A_5, %add3A : vector<2000x128xf32>
    %get3A_10 = arith.constant 0 : index
    %get3A_11 = arith.constant 0 : index
    %get3A_12 = vector.load %arg3[%get3A_10, %get3A_11] : memref<128x128xf32, #tpu.memory_space<vmem>>, vector<128x128xf32>
    %dot_general3A_13 = arith.constant dense<0.000000e+00> : vector<2000x128xf32>
    %dot_general3A_14 = tpu.matmul %get3A_1, %get3A_12, %dot_general3A_13 {dimension_numbers = #tpu.dot_dimension_numbers<[1], [0], [0], [1], [0, 0, 1, 1], [], []>, transpose_lhs_hint = false} : vector<2000x128xf32>, vector<128x128xf32>, vector<2000x128xf32> -> vector<2000x128xf32>
    %convert_element_type3A = arith.truncf %add3A_9 : vector<2000x128xf32> to vector<2000x128xbf16>
    %slice3A = vector.extract_strided_slice %convert_element_type3A {offsets = [0, 0], sizes = [2000, 64], strides = [1, 1]} : vector<2000x128xbf16> to vector<2000x64xbf16>
    %bitcast_convert_type3A = tpu.bitcast %slice3A : vector<2000x64xbf16> -> vector<2000x64xi16>
    %convert_element_type3A_15 = arith.extui %bitcast_convert_type3A : vector<2000x64xi16> to vector<2000x64xi32>
    %slice3A_16 = vector.extract_strided_slice %convert_element_type3A {offsets = [0, 64], sizes = [2000, 64], strides = [1, 1]} : vector<2000x128xbf16> to vector<2000x64xbf16>
    %bitcast_convert_type3A_17 = tpu.bitcast %slice3A_16 : vector<2000x64xbf16> -> vector<2000x64xi16>
    %convert_element_type3A_18 = arith.extui %bitcast_convert_type3A_17 : vector<2000x64xi16> to vector<2000x64xi32>
    %shift_left3A = arith.constant 16 : i32
    %shift_left3A_19 = vector.broadcast %shift_left3A : i32 to vector<2000x64xi32>
    %shift_left3A_20 = arith.shli %convert_element_type3A_18, %shift_left3A_19 : vector<2000x64xi32>
    %or3A = arith.ori %convert_element_type3A_15, %shift_left3A_20 : vector<2000x64xi32>
    %bitcast_convert_type3A_21 = tpu.bitcast %or3A : vector<2000x64xi32> -> vector<2000x64xi32>
    %convert_element_type3A_22 = arith.truncf %dot_general3A_14 : vector<2000x128xf32> to vector<2000x128xbf16>
    %slice3A_23 = vector.extract_strided_slice %convert_element_type3A_22 {offsets = [0, 0], sizes = [2000, 64], strides = [1, 1]} : vector<2000x128xbf16> to vector<2000x64xbf16>
    %bitcast_convert_type3A_24 = tpu.bitcast %slice3A_23 : vector<2000x64xbf16> -> vector<2000x64xi16>
    %convert_element_type3A_25 = arith.extui %bitcast_convert_type3A_24 : vector<2000x64xi16> to vector<2000x64xi32>
    %slice3A_26 = vector.extract_strided_slice %convert_element_type3A_22 {offsets = [0, 64], sizes = [2000, 64], strides = [1, 1]} : vector<2000x128xbf16> to vector<2000x64xbf16>
    %bitcast_convert_type3A_27 = tpu.bitcast %slice3A_26 : vector<2000x64xbf16> -> vector<2000x64xi16>
    %convert_element_type3A_28 = arith.extui %bitcast_convert_type3A_27 : vector<2000x64xi16> to vector<2000x64xi32>
    %shift_left3A_29 = arith.constant 16 : i32
    %shift_left3A_30 = vector.broadcast %shift_left3A_29 : i32 to vector<2000x64xi32>
    %shift_left3A_31 = arith.shli %convert_element_type3A_28, %shift_left3A_30 : vector<2000x64xi32>
    %or3A_32 = arith.ori %convert_element_type3A_25, %shift_left3A_31 : vector<2000x64xi32>
    %bitcast_convert_type3A_33 = tpu.bitcast %or3A_32 : vector<2000x64xi32> -> vector<2000x64xi32>
    %concatenate3A = tpu.concatenate %bitcast_convert_type3A_21, %bitcast_convert_type3A_33 in 1 : vector<2000x64xi32>, vector<2000x64xi32> -> vector<2000x128xi32>
    %reshape3A = vector.shape_cast %concatenate3A : vector<2000x128xi32> to vector<256000xi32>
    %swap3A = arith.constant 0 : index
    %swap3A_34 = vector.load %arg5[%swap3A] : memref<256000xi32, #tpu.memory_space<vmem>>, vector<256000xi32>
    tpu.vector_store %arg5[%swap3A], %reshape3A {strides = array<i32>} : memref<256000xi32, #tpu.memory_space<vmem>>, vector<256000xi32>,
    return
  }
  func.func @transform_0(%arg0: i32) -> (i32, i32) {
    %c0_i32 = arith.constant 0 : i32
    %c0_i32_0 = arith.constant 0 : i32
    return %arg0, %c0_i32 : i32, i32
  }
  func.func @transform_1(%arg0: i32) -> (i32, i32) {
    %c0_i32 = arith.constant 0 : i32
    %c0_i32_0 = arith.constant 0 : i32
    %c0_i32_1 = arith.constant 0 : i32
    return %c0_i32, %c0_i32_0 : i32, i32
  }
  func.func @transform_2(%arg0: i32) -> (i32, i32) {
    %c0_i32 = arith.constant 0 : i32
    %c0_i32_0 = arith.constant 0 : i32
    %c0_i32_1 = arith.constant 0 : i32
    return %c0_i32, %c0_i32_0 : i32, i32
  }
  func.func @transform_3(%arg0: i32) -> (i32, i32) {
    %c0_i32 = arith.constant 0 : i32
    %c0_i32_0 = arith.constant 0 : i32
    %c0_i32_1 = arith.constant 0 : i32
    return %c0_i32, %c0_i32_0 : i32, i32
  }
  func.func @transform_4(%arg0: i32) -> i32 {
    %c0_i32 = arith.constant 0 : i32
    return %arg0 : i32
  }
}

</mosaic_0001>

<sc_bundles>
// kernel: kernel.4.cloned.1.call-start
scs
__scs_entry_jumppad:
0x0: {  	(pc) =	sbr.rel $0x88, $3  }
0x1: {  	(tag) =	ssettag $0x0;
	lr =	simm.s32 $0x1  }
0x2: {  	[smem:$0x3F9C] =	sst lr;
	_ =	strace $0xD0000000  }
0x3: {  	_ = 	snop  }
0x4: {  	_ = 	snop  }
0x5: {  	_ = 	snop  }
0x6: {  	_ = 	snop  }
0x7: {  	_ = 	snop  }
__scs_overlays_trampoline_lowered:
0x8: {  	[smem:$0x3FAB] =	sst s0  }
0x9: {  	[smem:$0x3FAC] =	sst s1  }
0xa: {  	[smem:$0x3FAD] =	sst s2  }
0xb: {  	[smem:$0x3FAE] =	sst s3  }
0xc: {  	[smem:$0x3FAF] =	sst s4  }
0xd: {  	[smem:$0x3FB0] =	sst s5  }
0xe: {  	[smem:$0x3FB1] =	sst s6  }
0xf: {  	[smem:$0x3FB2] =	sst s7  }
0x10: {  	[smem:$0x3FB3] =	sst s8  }
0x11: {  	[smem:$0x3FB4] =	sst s9;
	s0 =	simm.s32 @!p0 $0x0  }
0x12: {  	s1 =	sld [smem:$0x3F9A];
	s0 =	simm.s32 @p0 $0x1  }
0x13: {  	[smem:$0x3FB5] =	sst s0;
	s0 =	simm.s32 @!p1 $0x0  }
0x14: {  	s2 =	sld [smem:$0x3F99];
	s0 =	simm.s32 @p1 $0x1  }
0x15: {  	[smem:$0x3FB6] =	sst s0;
	s0 =	simm.s32 @!p2 $0x0  }
0x16: {  	s3 =	sld [smem:$0x3FDB];
	s0 =	simm.s32 @p2 $0x1  }
0x17: {  	s4 =	simm.s32 $0x1BF5;
	[smem:$0x3FB8] =	sst s0  }
0x18: {  	s0 =	sld [smem:$0x3F9B];
	_ =	swait.ge [sflag:s4], $0x0  }
0x19: {  	s7 =	sld [smem:$0x3F9C]  }
0x1a: {  	s8 =	sadd.s32 $0xFFFFE003, lr  }
0x1b: {  	s9 =	sadd.s32 $0xFFFFFEF7, lr;
	s5 =	simm.s32 $0xFFFFFFFF;
	p2 =	slt.u32 s8, $0xFFFFF086  }
0x1c: {  	p1 =	slt.u32 s9, $0xF7A;
	s5 =	simm.s32 @!p2 $0x0  }
0x1d: {  	s5 =	simm.s32 @p1 $0x1;
	p0 =	seq.s32 s7, s2  }
0x1e: {  	s7 =	smul.u32 @!p0 $0xF7A, s2;
	p2 =	seq.s32 @!p0 s5, $0x0  }
0x1f: {  	s9 =	smul.u32 $0xF7A, s1;
	s8 =	simm.s32 @!p0 $0x1BF5;
	p2 =	por !p2, p0  }
0x20: {  	[sflag:s8] =	ssyncset.s32 @!p0 $0xFFFFF086;
	s6 =	sadd.s32 @!p0 s3, s7;
	s7 =	simm.s32 @!p0 $0x108  }
0x21: {  	s3 =	sadd.s32 s3, s9;
	s6 =	sadd.s32 @!p0 $0x88, s6;
	s7 =	simm.s32 @p2 $0x1082  }
0x22: {  	[simem:s7], [sflag:s8] =	dma.local @!p0 [hbm:s6], $0xF7A  }
0x23: {  	s9 =	sor.u32 $0xD0000000, s2;
	s6 =	simm.s32 $0x108;
	_ =	swait.ge @!p0 [sflag:s8], $0x0  }
0x24: {  	s3 =	sadd.s32 $0x88, s3;
	s6 =	simm.s32 @!p1 $0x1082;
	[sflag:s4] =	ssyncset.s32 $0xFFFFF086  }
0x25: {  	[simem:s6], [sflag:s4] =	dma.local [hbm:s3], $0xF7A  }
0x26: {  	[smem:$0x3F9C] =	sst s1;
	(tag) =	ssettag s2;
	_ =	strace s9  }
0x27: {  	s1 =	sld [smem:$0x3FAC]  }
0x28: {  	s2 =	sld [smem:$0x3FAD]  }
0x29: {  	s4 =	sld [smem:$0x3FAF]  }
0x2a: {  	p0 =	seq.s32 s5, $0x0;
	s5 =	sld [smem:$0x3FB0]  }
0x2b: {  	s6 =	sld [smem:$0x3FB1]  }
0x2c: {  	s7 =	sld [smem:$0x3FB2]  }
0x2d: {  	s3 =	simm.s32 $0x108;
	s8 =	sld [smem:$0x3FB3]  }
0x2e: {  	s3 =	simm.s32 @!p0 $0x1082;
	s9 =	sld [smem:$0x3FB4]  }
0x2f: {  	lr =	sadd.s32 s0, s3;
	s0 =	sld [smem:$0x3FAB]  }
0x30: {  	s3 =	sld [smem:$0x3FAE]  }
0x31: {  	[smem:$0x3FB7] =	sst s10  }
0x32: {  	s10 =	sld [smem:$0x3FB5];
	_ =	sdelay $0x3  }
0x33: {  	p0 =	seq.s32 s10, $0x1;
	s10 =	sld [smem:$0x3FB7];
	_ =	sdelay $0x3  }
0x34: {  	[smem:$0x3FB7] =	sst s10  }
0x35: {  	s10 =	sld [smem:$0x3FB6];
	_ =	sdelay $0x3  }
0x36: {  	p1 =	seq.s32 s10, $0x1;
	s10 =	sld [smem:$0x3FB7];
	_ =	sdelay $0x3  }
0x37: {  	[smem:$0x3FB7] =	sst s10  }
0x38: {  	s10 =	sld [smem:$0x3FB8]  }
0x39: {  	_ = 	snop;
	(pc) =	sbr.ind lr, $3  }
0x3a: {  	_ = 	snop  }
0x3b: {  	_ = 	snop  }
0x3c: {  	p2 =	seq.s32 s10, $0x1;
	s10 =	sld [smem:$0x3FB7]  }
0x3d: {  	_ =	shalt  }
0x3e: {  	_ =	shalt  }
0x3f: {  	_ =	shalt  }
0x40: {  	_ =	shalt  }
0x41: {  	_ =	shalt  }
0x42: {  	_ =	shalt  }
0x43: {  	_ =	shalt  }
0x44: {  	_ =	shalt  }
0x45: {  	_ =	shalt  }
0x46: {  	_ =	shalt  }
0x47: {  	_ =	shalt  }
0x48: {  	_ =	shalt  }
0x49: {  	_ =	shalt  }
0x4a: {  	_ =	shalt  }
0x4b: {  	_ =	shalt  }
0x4c: {  	_ =	shalt  }
0x4d: {  	_ =	shalt  }
0x4e: {  	_ =	shalt  }
0x4f: {  	_ =	shalt  }
0x50: {  	_ =	shalt  }
0x51: {  	_ =	shalt  }
0x52: {  	_ =	shalt  }
0x53: {  	_ =	shalt  }
0x54: {  	_ =	shalt  }
0x55: {  	_ =	shalt  }
0x56: {  	_ =	shalt  }
0x57: {  	_ =	shalt  }
0x58: {  	_ =	shalt  }
0x59: {  	_ =	shalt  }
0x5a: {  	_ =	shalt  }
0x5b: {  	_ =	shalt  }
0x5c: {  	_ =	shalt  }
0x5d: {  	_ =	shalt  }
0x5e: {  	_ =	shalt  }
0x5f: {  	_ =	shalt  }
0x60: {  	_ =	shalt  }
0x61: {  	_ =	shalt  }
0x62: {  	_ =	shalt  }
0x63: {  	_ =	shalt  }
0x64: {  	_ =	shalt  }
0x65: {  	_ =	shalt  }
0x66: {  	_ =	shalt  }
0x67: {  	_ =	shalt  }
0x68: {  	_ =	shalt  }
0x69: {  	_ =	shalt  }
0x6a: {  	_ =	shalt  }
0x6b: {  	_ =	shalt  }
0x6c: {  	_ =	shalt  }
0x6d: {  	_ =	shalt  }
0x6e: {  	_ =	shalt  }
0x6f: {  	_ =	shalt  }
0x70: {  	_ =	shalt  }
0x71: {  	_ =	shalt  }
0x72: {  	_ =	shalt  }
0x73: {  	_ =	shalt  }
0x74: {  	_ =	shalt  }
0x75: {  	_ =	shalt  }
0x76: {  	_ =	shalt  }
0x77: {  	_ =	shalt  }
0x78: {  	_ =	shalt  }
0x79: {  	_ =	shalt  }
0x7a: {  	_ =	shalt  }
0x7b: {  	_ =	shalt  }
0x7c: {  	_ =	shalt  }
0x7d: {  	_ =	shalt  }
0x7e: {  	_ =	shalt  }
0x7f: {  	_ =	shalt  }
0x80: {  	_ =	shalt  }
0x81: {  	_ =	shalt  }
0x82: {  	_ =	shalt  }
0x83: {  	_ =	shalt  }
0x84: {  	_ =	shalt  }
0x85: {  	_ =	shalt  }
0x86: {  	_ =	shalt  }
0x87: {  	_ =	shalt  }
.Lfunc_end0:
.L_simem_size_0:
called_computation_lowered:
.L_overlay_start_0:
0x88: {  	s2 =	sld [smem:$0x3FD9]  }
0x89: {  	s3 =	sld [smem:$0x3FFE];
	_ =	sdelay $0x1  }
0x8a: {  	s1 =	srdreg.scid  }
0x8b: {  	s0 =	sand.u32 $0x1, s1  }
0x8c: {  	s17 =	sshll.u32 s0, $0xA;
	s2 =	sadd.s32 s3, s2  }
0x8d: {  	s2 =	sadd.s32 s2, s17  }
0x8e: {  	[smem:$0x3FC3] =	sst s2  }
0x8f: {  	_ = 	snop  }
0x90: {  	s2 =	sld [smem:$0x3FD0];
	(tm) =	ssettm $0x1  }
0x91: {  	s18 =	sld [smem:$0x3FFB];
	_ =	sdelay $0x3  }
0x92: {  	_ =	strace s18  }
0x93: {  	s3 =	sld [smem:$0x3FFC];
	_ =	sdelay $0x3  }
0x94: {  	_ =	strace s3  }
0x95: {  	s3 =	sld [smem:$0x3FFD];
	_ =	sdelay $0x3  }
0x96: {  	_ =	strace s3  }
0x97: {  	_ =	strace $0x8FFFFFFF  }
0x98: {  	s19 =	sld [smem:$0x3FDB];
	_ =	sdelay $0x1  }
0x99: {  	s4 =	simm.s32 $_scs_section_size  }
0x9a: {  	s5 =	simm.s32 $_size__tile_overlayer_lowered;
	s6 =	simm.s32 $_tile_overlayer_lowered  }
0x9b: {  	s22 =	simm.s32 $0x1BFF;
	s21 =	sshll.u32 s6, $0x1;
	s3 =	sadd.s32 s4, s19  }
0x9c: {  	s7 =	simm.s32 $0x0;
	s20 =	sshll.u32 s5, $0x1;
	s5 =	sadd.s32 s21, s3  }
0x9d: {  	[timem:s7], [sflag:s22] =	dma.local [hbm:s5], s20  }
0x9e: {  	_ =	swait.ge [sflag:s22], s20  }
0x9f: {  	s4 =	ssub.s32 $0x0, s20;
	[sflag:s22] =	ssyncset.done $0x0  }
0xa0: {  	[sflag:s22] =	ssyncadd.s32 s4;
	_ =	sdelay $0x1  }
0xa1: {  	s23 =	simm.s32 $0x1B8B  }
0xa2: {  	_ =	swait.ge [sflag:s23], $0x1  }
0xa3: {  	[sflag:s23] =	ssyncset.done $0x0  }
0xa4: {  	s25 =	simm.s32 $0x1B8E;
	s24 =	sld [smem:$0x3FFE];
	[sflag:s23] =	ssyncadd.s32 $0xFFFFFFFF  }
0xa5: {  	s26 =	simm.s32 $execute0_lowered;
	[smem:$0x3FD2] =	sst s25  }
0xa6: {  	s5 =	sshll.u32 s26, $0x1;
	_ =	strace $0x80000046;
	[dreg:$0x1] =	wrdreg $0xFFFFFFFF  }
0xa7: {  	s28 =	simm.s32 $_size_execute0_lowered;
	s3 =	sadd.s32 s3, s5;
	[dreg:$0x0] =	wrdreg $0x0  }
0xa8: {  	s5 =	sshll.u32 s28, $0x1;
	[dreg:$0x2] =	wrdreg s3  }
0xa9: {  	[dreg:$0x3] =	wrdreg s5  }
0xaa: {  	[dreg:$0x4] =	wrdreg $0xC0  }
0xab: {  	_ =	task [dreg:s7], $0x5FFFF  }
0xac: {  	[dreg:$0x1] =	wrdreg $0xFFFFFFFF  }
0xad: {  	[dreg:$0x0] =	wrdreg $0x60  }
0xae: {  	[dreg:$0x2] =	wrdreg s24  }
0xaf: {  	[dreg:$0x3] =	wrdreg s2  }
0xb0: {  	[dreg:$0x4] =	wrdreg $0x9  }
0xb1: {  	_ =	task.clear_ibuf [dreg:s7], $0x5FFFF;
	_ =	strace $0x90000046  }
0xb2: {  	s29 =	simm.s32 $0x9;
	_ =	strace $0x80000048  }
0xb3: {  	_ =	swait.ge [sflag:s29], $0x1  }
0xb4: {  	[sflag:s29] =	ssyncadd.s32 $0xFFFFFFFF  }
0xb5: {  	_ =	strace $0x90000048  }
0xb6: {  	_ =	sfence  }
0xb7: {  	s30 =	sld [smem:$0x0];
	_ =	sdelay $0x2  }
0xb8: {  	s31 =	sshll.u32 s1, $0xD;
	s1 =	sshrl.u32 s1, $0x2  }
0xb9: {  	s3 =	sand.u32 $0x4000, s31;
	s1 =	sadd.s32 s1, s30  }
0xba: {  	s0 =	sor.u32 s3, s0;
	s1 =	sshll.u32 s1, $0x11  }
0xbb: {  	s0 =	sor.u32 s1, s0  }
0xbc: {  	s0 =	sadd.s32 $0x8F2B, s0  }
0xbd: {  	[sflag:s0] =	ssyncadd.remote.s32 $0x1  }
0xbe: {  	_ =	sfence.sel $0xFFFF  }
0xbf: {  	[dreg:$0x0] =	wrdreg $0xFFFFFFFF;
	(pc) =	sbr.abs _section_cstart, $3  }
0xc0: {  	[dreg:$0x1] =	wrdreg $0xFFFFFFFF  }
0xc1: {  	_ =	task.clear_ibuf [dreg:s7], $0x2FFFF;
	_ =	strace $0x9FFFFFFF  }
0xc2: {  	(tm) =	ssettm $0x7FFFFFFF  }
0xc3: {  	_ =	shalt  }
tec
execute0_lowered:
.L_overlay_start_1:
0x0: {  	(tag) =	ssettag $0x1  }
0x1: {  	s0 =	srdreg.scid  }
0x2: {  	s2 =	stileid.u32;
	s1 =	rddreg [dreg:$0x0]  }
0x3: {  	s7 =	rddreg [dreg:$0x1];
	s10 =	simm.s32 $0x9;
	s12 =	simm.s32 $0x80  }
0x4: {  	s22 =	simm.s32 $0xB000;
	s0 =	sand.u32 $0x1, s0;
	s2 =	sshll.u32 s2, $0x1  }
0x5: {  	s28 =	simm.s32 $0x2;
	s29 =	simm.s32 $0x6;
	s3 =	sor.u32 s0, s2  }
0x6: {  	s30 =	simm.s32 $0x3;
	s31 =	simm.s32 $0x7;
	s3 =	smul.u32 $0x2710, s3  }
0x7: {  	s9 =	simm.s32 $0x0;
	s2 =	simm.s32 $0x0;
	s0 =	ssub.s32 $0x2, s0  }
0x8: {  	[smem:$0x7FF] =	sst s2;
	s23 =	sshrl.u32 s0, $0x1;
	s4 =	smin.u32 s3, $0x4BA00  }
0x9: {  	_ =	strace $0x80000047;
	s0 =	ssub.s32 s0, s23;
	s8 =	sshrl.u32 s4, $0x3  }
0xa: {  	s23 =	simm.s32 $0x13000;
	s3 =	sadd.s32 $0x14800, s1;
	s6 =	sadd.s32 s8, s1  }
0xb: {  	s1 =	sadd.s32 $0xC00, s1;
	s26 =	sadd.s32 s7, s8;
	s8 =	smax.u32 s0, $0x1  }
0xc: {  	s0 =	simm.s32 $0x8;
	[dreg:$0x3] =	wrdreg s1;
	s24 =	sadd.s32 $0xE00, s6  }
0xd: {  	s25 =	sadd.s32 $0xAA40, s6;
	[dreg:$0x6] =	wrdreg s26;
	s6 =	simm.s32 $0x2800  }
0xe: {  	v1 =	vimm.s32 $0x0;
	vm0 =	vcmask $0x300;
	s26 =	simm.s32 $0x15000;
	s1 =	simm.s32 $0x4;
	[dreg:$0x4] =	wrdreg s24  }
0xf: {  	v0 =	vimm.bf16 $0.0e+00;
	v1 =	vsel vm0, $0x3, v1;
	vm0 =	vcmask $0x3F3C;
	[dreg:$0x5] =	wrdreg s25;
	s24 =	simm.s32 $0x1;
	s25 =	simm.s32 $0x5  }
.LBB2_1:
0x10: {  	s4 =	rddreg [dreg:$0x3];
	s5 =	simm.s32 $0x17800  }
0x11: {  	[tilespmem:s5], [sflag:$0x9] =	stream.linear.gather [hbm4b:s4+s2], $0x40, $0x38;
	[tilespmem:$0x17840] =	vst v63  }
0x12: {  	_ =	swait.ge [sflag:s10], $0x40  }
0x13: {  	[sflag:s10] =	ssyncset.done $0x0  }
0x14: {  	s20 =	rddreg [dreg:$0x4];
	[sflag:s10] =	ssyncadd.s32 $0xFFFFFFC0  }
0x15: {  	[tilespmem:s2], [sflag:$0x9] =	stream.linear.gather [hbm4b:s20+s2], $0x2800, $0x38;
	[tilespmem:$0x17840] =	vst v63  }
0x16: {  	_ =	swait.ge [sflag:s10], $0x2800  }
0x17: {  	[sflag:s10] =	ssyncset.done $0x0  }
0x18: {  	s21 =	rddreg [dreg:$0x5];
	[sflag:s10] =	ssyncadd.s32 $0xFFFFD800  }
0x19: {  	[tilespmem:s6], [sflag:$0x9] =	stream.linear.gather [hbm4b:s21+s2], $0x2800, $0x38;
	[tilespmem:$0x17840] =	vst v63  }
0x1a: {  	_ =	swait.ge [sflag:s10], $0x2800  }
0x1b: {  	[sflag:s10] =	ssyncset.done $0x0  }
0x1c: {  	s15 =	simm.s32 $0x20;
	[sflag:s10] =	ssyncadd.s32 $0xFFFFD800  }
0x1d: {  	v2 =	vld [tilespmem:s15+$0x10];
	_ =	sdelay $0x2  }
0x1e: {  	v3 =	vld [tilespmem:s15+$0xFFFFFFF0]  }
0x1f: {  	v4 =	vld [tilespmem:s15+$0xFFFFFFE0]  }
0x20: {  	s14 =	simm.s32 $0x60;
	v5 =	vld [tilespmem:s15+$0x0];
	v2 =	vshll.u32 v2, $0x1  }
0x21: {  	s13 =	simm.s32 $0x2820;
	v7 =	vld [tilespmem:s14+$0x10];
	[tilespmem:s15+$0x10] =	vst v2  }
0x22: {  	v8 =	vld [tilespmem:s13+$0x10]  }
0x23: {  	v9 =	vld [tilespmem:s14+$0xFFFFFFF0]  }
0x24: {  	v4 =	vshll.u32 v4, $0x1;
	v2 =	vld [tilespmem:s14+$0x0]  }
0x25: {  	v6 =	vld [tilespmem:s14+$0xFFFFFFE0];
	v3 =	vshll.u32 v3, $0x1;
	[tilespmem:s15+$0xFFFFFFE0] =	vst v4  }
0x26: {  	v5 =	vshll.u32 v5, $0x1;
	[tilespmem:s15+$0xFFFFFFF0] =	vst v3;
	v4 =	vld [tilespmem:s13+$0xFFFFFFE0]  }
0x27: {  	[tilespmem:s15+$0x0] =	vst v5;
	v5 =	vshll.u32 v7, $0x1;
	v3 =	vld [tilespmem:s13+$0xFFFFFFF0];
	v8 =	vshll.u32 v8, $0x1  }
0x28: {  	s16 =	simm.s32 $0xA0;
	s17 =	simm.s32 $0x2820;
	s15 =	simm.s32 $0x4;
	v7 =	vshll.u32 v9, $0x1;
	[tilespmem:s14+$0x10] =	vst v5;
	v5 =	vld [tilespmem:s13+$0x0];
	v8 =	vor.u32 $0x1, v8  }
.LBB2_2:
0x29: {  	v9 =	vld [tilespmem:s16+$0x10];
	v10 =	vshll.u32 v2, $0x1;
	[tilespmem:s13+$0x10] =	vst v8;
	s17 =	sadd.s32 $0x40, s17  }
0x2a: {  	s15 =	sadd.s32 $0x4, s15;
	v2 =	vshll.u32 v6, $0x1;
	[tilespmem:s14+$0xFFFFFFF0] =	vst v7;
	v7 =	vld [tilespmem:s17+$0x10]  }
0x2b: {  	p0 =	slt.u32 s15, $0x27C;
	v8 =	vld [tilespmem:s16+$0xFFFFFFF0];
	[tilespmem:s14+$0xFFFFFFE0] =	vst v2;
	v4 =	vshll.u32 v4, $0x1  }
.Ltmp0:
0x2c: {  	v2 =	vld [tilespmem:s16+$0x0];
	[tilespmem:s14+$0x0] =	vst v10;
	v4 =	vor.u32 $0x1, v4;
	v3 =	vshll.u32 v3, $0x1;
	s14 =	smov.u32 s16;
	(pc) =	sbr.rel @p0 .LBB2_2-.Ltmp0, $4  }
0x2d: {  	v6 =	vld [tilespmem:s16+$0xFFFFFFE0];
	[tilespmem:s13+$0xFFFFFFE0] =	vst v4;
	v3 =	vor.u32 $0x1, v3;
	v5 =	vshll.u32 v5, $0x1  }
0x2e: {  	v4 =	vld [tilespmem:s17+$0xFFFFFFE0];
	[tilespmem:s13+$0xFFFFFFF0] =	vst v3;
	v5 =	vor.u32 $0x1, v5  }
0x2f: {  	v9 =	vshll.u32 v9, $0x1;
	v3 =	vld [tilespmem:s17+$0xFFFFFFF0];
	v10 =	vshll.u32 v7, $0x1;
	[tilespmem:s13+$0x0] =	vst v5;
	s13 =	smov.u32 s17  }
0x30: {  	s16 =	sadd.s32 $0x40, s16;
	v7 =	vshll.u32 v8, $0x1;
	[tilespmem:s14+$0x10] =	vst v9;
	v5 =	vld [tilespmem:s17+$0x0];
	v8 =	vor.u32 $0x1, v10  }
0x31: {  	_ = 	snop  }
0x32: {  	s15 =	sadd.s32 $0x40, s17;
	v6 =	vshll.u32 v6, $0x1  }
0x33: {  	[tilespmem:s14+$0xFFFFFFE0] =	vst v6;
	v6 =	vld [tilespmem:s15+$0x10]  }
0x34: {  	v2 =	vshll.u32 v2, $0x1;
	[tilespmem:s14+$0xFFFFFFF0] =	vst v7;
	v7 =	vld [tilespmem:s15+$0xFFFFFFE0]  }
0x35: {  	[tilespmem:s14+$0x0] =	vst v2;
	v2 =	vld [tilespmem:s15+$0xFFFFFFF0];
	v4 =	vshll.u32 v4, $0x1  }
0x36: {  	[tilespmem:s13+$0x10] =	vst v8;
	v63 =	vld [tilespmem:s15+$0x0];
	v4 =	vor.u32 $0x1, v4;
	v3 =	vshll.u32 v3, $0x1  }
0x37: {  	[tilespmem:s13+$0xFFFFFFE0] =	vst v4;
	v3 =	vor.u32 $0x1, v3;
	v4 =	vshll.u32 v5, $0x1  }
0x38: {  	[tilespmem:s13+$0xFFFFFFF0] =	vst v3;
	v3 =	vor.u32 $0x1, v4;
	v4 =	vshll.u32 v6, $0x1  }
0x39: {  	[tilespmem:s13+$0x0] =	vst v3;
	v3 =	vor.u32 $0x1, v4;
	v4 =	vshll.u32 v7, $0x1  }
0x3a: {  	v2 =	vshll.u32 v2, $0x1;
	[tilespmem:s15+$0x10] =	vst v3;
	v3 =	vor.u32 $0x1, v4  }
0x3b: {  	v2 =	vor.u32 $0x1, v2;
	[tilespmem:s15+$0xFFFFFFE0] =	vst v3;
	v3 =	vshll.u32 v63, $0x1  }
0x3c: {  	[tilespmem:s15+$0xFFFFFFF0] =	vst v2;
	v2 =	vor.u32 $0x1, v3  }
0x3d: {  	[tilespmem:s15+$0x0] =	vst v2  }
0x3e: {  	v2 =	vld [tilespmem:$0x17800]  }
0x3f: {  	v3 =	vld [tilespmem:$0x17810]  }
0x40: {  	s4 =	simm.s32 $0x5000;
	s13 =	simm.s32 $0x0;
	v4 =	vld [tilespmem:$0x17820]  }
0x41: {  	v5 =	vld [tilespmem:$0x17830];
	[tilespmem:s4], [sflag:$0x1] =	stream.indirect.gather [hbm4b:s3+s12], $0x40, s13, s12, $0xb8  }
0x42: {  	s15 =	simm.s32 $0xD000  }
0x43: {  	[tilespmem:s15], [sflag:$0x5] =	stream.indirect.gather [hbm4b:s3+s12], $0x40, s6, s12, $0xb8;
	[tilespmem:$0x17840] =	vst v63  }
0x44: {  	s16 =	simm.s32 $0x7000  }
0x45: {  	[tilespmem:s16], [sflag:$0x2] =	stream.indirect.gather [hbm4b:s3+s12], $0x40, s12, s12, $0xb8;
	[tilespmem:$0x17840] =	vst v63  }
0x46: {  	s17 =	simm.s32 $0x2880;
	s5 =	simm.s32 $0xF000  }
0x47: {  	[tilespmem:s5], [sflag:$0x6] =	stream.indirect.gather [hbm4b:s3+s12], $0x40, s17, s12, $0xb8;
	[tilespmem:$0x17840] =	vst v63  }
0x48: {  	s18 =	simm.s32 $0x100;
	s19 =	simm.s32 $0x9000  }
0x49: {  	[tilespmem:s19], [sflag:$0x3] =	stream.indirect.gather [hbm4b:s3+s12], $0x40, s18, s12, $0xb8;
	[tilespmem:$0x17840] =	vst v63  }
0x4a: {  	s20 =	simm.s32 $0x2900;
	s21 =	simm.s32 $0x11000;
	s14 =	simm.s32 $0x0  }
0x4b: {  	[tilespmem:s21], [sflag:$0x7] =	stream.indirect.gather [hbm4b:s3+s12], $0x40, s20, s12, $0xb8;
	[tilespmem:$0x17840] =	vst v63  }
.LBB2_4:
0x4c: {  	s15 =	sshll.u32 s14, $0x9  }
0x4d: {  	s16 =	sor.u32 $0x180, s15  }
0x4e: {  	[tilespmem:s22], [sflag:$0x4] =	stream.indirect.gather [hbm4b:s3+s12], $0x40, s16, s12, $0xb8;
	[tilespmem:$0x17840] =	vst v63  }
0x4f: {  	s5 =	sadd.s32 $0x2980, s15  }
0x50: {  	[tilespmem:s23], [sflag:$0x8] =	stream.indirect.gather [hbm4b:s3+s12], $0x40, s5, s12, $0xb8;
	[tilespmem:$0x17840] =	vst v63  }
0x51: {  	_ =	swait.ge [sflag:s24], $0x2000  }
0x52: {  	[sflag:s24] =	ssyncset.done $0x0  }
0x53: {  	[sflag:s24] =	ssyncadd.s32 $0xFFFFE000  }
0x54: {  	_ =	swait.ge [sflag:s25], $0x2000  }
0x55: {  	[sflag:s25] =	ssyncset.done $0x0  }
0x56: {  	s18 =	simm.s32 $0x5100;
	[sflag:s25] =	ssyncadd.s32 $0xFFFFE000  }
0x57: {  	s16 =	simm.s32 $0xD100;
	v7 =	vld [tilespmem:s18+$0xC0]  }
0x58: {  	v8 =	vld [tilespmem:s16+$0xC0]  }
0x59: {  	v9 =	vld [tilespmem:s18+$0xD0]  }
0x5a: {  	v10 =	vld [tilespmem:s16+$0xD0]  }
0x5b: {  	v11 =	vld [tilespmem:s18+$0xE0]  }
0x5c: {  	v12 =	vld [tilespmem:s16+$0xE0]  }
0x5d: {  	v13 =	vld [tilespmem:s18+$0xF0]  }
0x5e: {  	v14 =	vld [tilespmem:s16+$0xF0]  }
0x5f: {  	v15 =	vld [tilespmem:s18+$0xFFFFFF10]  }
0x60: {  	v16 =	vld [tilespmem:s16+$0xFFFFFF10]  }
0x61: {  	v17 =	vld [tilespmem:s18+$0xFFFFFF40]  }
0x62: {  	v18 =	vld [tilespmem:s16+$0xFFFFFF40];
	v7 =	vsub.bf16 v7, v8;
	v9 =	vsub.bf16 v9, v10  }
0x63: {  	v8 =	vld [tilespmem:s18+$0xFFFFFF20];
	v10 =	vsub.bf16 v11, v12;
	v12 =	vsub.bf16 v13, v14  }
0x64: {  	v11 =	vld [tilespmem:s16+$0xFFFFFF20]  }
0x65: {  	v13 =	vld [tilespmem:s18+$0xFFFFFF30];
	v10 =	vmax.bf16 v10, v0;
	v12 =	vmax.bf16 v12, v0  }
0x66: {  	v14 =	vld [tilespmem:s16+$0xFFFFFF30];
	v10 =	vmul.bf16 v10, v4;
	v12 =	vmul.bf16 v12, v5  }
0x67: {  	v15 =	vsub.bf16 v15, v16;
	v16 =	vld [tilespmem:s18+$0xFFFFFF50];
	v7 =	vmax.bf16 v7, v0;
	v9 =	vmax.bf16 v9, v0  }
0x68: {  	v7 =	vmul.bf16 v7, v2;
	v9 =	vmul.bf16 v9, v3;
	v10 =	vadd.bf16 v12, v10;
	v12 =	vld [tilespmem:s16+$0xFFFFFF50]  }
0x69: {  	v8 =	vsub.bf16 v8, v11;
	v11 =	vld [tilespmem:s18+$0xFFFFFF60]  }
0x6a: {  	v9 =	vadd.bf16 v9, v7;
	v7 =	vmax.bf16 v15, v0;
	v15 =	vld [tilespmem:s18+$0xFFFFFF70]  }
0x6b: {  	v13 =	vsub.bf16 v13, v14;
	v14 =	vsub.bf16 v17, v18;
	v18 =	vld [tilespmem:s16+$0xFFFFFF70]  }
0x6c: {  	v9 =	vadd.bf16 v10, v9;
	v10 =	vld [tilespmem:s16+$0xFFFFFF60]  }
0x6d: {  	v20 =	vld [tilespmem:s16+$0xFFFFFFA0];
	v8 =	vmax.bf16 v8, v0;
	v13 =	vmax.bf16 v13, v0;
	v14 =	vmax.bf16 v14, v0  }
0x6e: {  	v17 =	vunpack.i.u.bf16.f32 v9;
	v9 =	vunpack.i.l.bf16.f32 v9;
	v12 =	vsub.bf16 v16, v12;
	v16 =	vld [tilespmem:s18+$0xFFFFFF80]  }
0x6f: {  	v17 =	vadd.f32 v9, v17;
	v9 =	vmul.bf16 v13, v5;
	v13 =	vmul.bf16 v14, v2;
	v14 =	vld [tilespmem:s16+$0xFFFFFF80]  }
0x70: {  	v8 =	vmul.bf16 v8, v4;
	v15 =	vsub.bf16 v15, v18;
	v18 =	vld [tilespmem:s18+$0xFFFFFFA0]  }
0x71: {  	v12 =	vmax.bf16 v12, v0;
	v10 =	vsub.bf16 v11, v10;
	v11 =	vld [tilespmem:s18+$0xFFFFFF90]  }
0x72: {  	v8 =	vadd.bf16 v9, v8;
	v9 =	vmul.bf16 v12, v3;
	v12 =	vld [tilespmem:s16+$0xFFFFFF90]  }
0x73: {  	v21 =	vld [tilespmem:s16+$0xFFFFFFB0];
	v15 =	vmax.bf16 v15, v0;
	v10 =	vmax.bf16 v10, v0  }
0x74: {  	v15 =	vmul.bf16 v15, v5;
	v10 =	vmul.bf16 v10, v4;
	v14 =	vsub.bf16 v16, v14;
	v16 =	vld [tilespmem:s18+$0xFFFFFFB0]  }
0x75: {  	v13 =	vadd.bf16 v9, v13  }
0x76: {  	v18 =	vsub.bf16 v18, v20;
	v20 =	vld [tilespmem:s18+$0xFFFFFFD0];
	v10 =	vadd.bf16 v15, v10  }
0x77: {  	v15 =	vld [tilespmem:s16+$0xFFFFFFC0];
	v11 =	vsub.bf16 v11, v12  }
0x78: {  	v14 =	vmax.bf16 v14, v0;
	v12 =	vld [tilespmem:s18+$0xFFFFFFC0];
	v10 =	vadd.bf16 v10, v13  }
0x79: {  	v14 =	vmul.bf16 v14, v2;
	v13 =	vld [tilespmem:s16+$0xFFFFFFD0];
	v11 =	vmax.bf16 v11, v0;
	v16 =	vsub.bf16 v16, v21  }
0x7a: {  	v21 =	vld [tilespmem:s18+$0xFFFFFFE0];
	v11 =	vmul.bf16 v11, v3;
	v27 =	vunpack.i.u.bf16.f32 v10;
	v10 =	vunpack.i.l.bf16.f32 v10  }
0x7b: {  	s17 =	sadd.s32 $0xFFFFFFF8, s13;
	v18 =	vmax.bf16 v18, v0;
	v16 =	vmax.bf16 v16, v0;
	v10 =	vadd.f32 v10, v27;
	v27 =	vld [tilespmem:s16+$0xFFFFFFF0]  }
0x7c: {  	s21 =	sadd.s32 $0xB, s17;
	v18 =	vmul.bf16 v18, v4;
	v11 =	vadd.bf16 v11, v14;
	v14 =	vld [tilespmem:s16+$0xFFFFFFE0];
	v16 =	vmul.bf16 v16, v5  }
0x7d: {  	v23 =	vmov s21;
	v12 =	vsub.bf16 v12, v15;
	v15 =	vld [tilespmem:s18+$0xFFFFFFF0]  }
0x7e: {  	s19 =	sadd.s32 $0xF, s17;
	s20 =	sadd.s32 $0xA, s17;
	v13 =	vsub.bf16 v20, v13;
	v20 =	vshrl.u32 v23, $0x3;
	v23 =	vld [tilespmem:s18+$0x0];
	v16 =	vadd.bf16 v16, v18  }
0x7f: {  	v19 =	vmov s19;
	v22 =	vmov s20;
	v18 =	vld [tilespmem:s16+$0x0]  }
0x80: {  	v12 =	vmax.bf16 v12, v0;
	v13 =	vmax.bf16 v13, v0;
	v11 =	vadd.bf16 v16, v11;
	v16 =	vld [tilespmem:s16+$0x10]  }
0x81: {  	s7 =	sadd.s32 $0xC, s17;
	s11 =	sadd.s32 $0xD, s17;
	v12 =	vmul.bf16 v12, v2;
	v13 =	vmul.bf16 v13, v3;
	v14 =	vsub.bf16 v21, v14;
	v21 =	vld [tilespmem:s18+$0x10]  }
0x82: {  	v24 =	vmov s7;
	v25 =	vmov s11;
	v15 =	vsub.bf16 v15, v27;
	v27 =	vld [tilespmem:s18+$0x20]  }
0x83: {  	v19 =	vshrl.u32 v19, $0x3;
	v29 =	vunpack.i.u.bf16.f32 v11;
	v12 =	vadd.bf16 v13, v12;
	v13 =	vld [tilespmem:s16+$0x20]  }
0x84: {  	v11 =	vunpack.i.l.bf16.f32 v11;
	v14 =	vmax.bf16 v14, v0;
	v15 =	vmax.bf16 v15, v0  }
0x85: {  	s21 =	sadd.s32 $0xE, s17;
	v18 =	vsub.bf16 v23, v18;
	v23 =	vld [tilespmem:s18+$0x30];
	v14 =	vmul.bf16 v14, v4;
	v15 =	vmul.bf16 v15, v5  }
0x86: {  	v26 =	vmov s21;
	v11 =	vadd.f32 v11, v29;
	v29 =	vld [tilespmem:s16+$0x30];
	v16 =	vsub.bf16 v21, v16  }
0x87: {  	v22 =	vshrl.u32 v22, $0x3;
	v24 =	vshrl.u32 v24, $0x3;
	v21 =	vld [tilespmem:s18+$0x40];
	v14 =	vadd.bf16 v15, v14  }
0x88: {  	v19 =	vshll.u32 v19, v1;
	v13 =	vsub.bf16 v27, v13;
	v27 =	vld [tilespmem:s18+$0x50];
	v16 =	vmax.bf16 v16, v0  }
0x89: {  	s6 =	sadd.s32 $0x9, s17;
	v26 =	vshrl.u32 v26, $0x3;
	v12 =	vadd.bf16 v14, v12;
	v14 =	vmul.bf16 v16, v3;
	v16 =	vld [tilespmem:s16+$0x50]  }
0x8a: {  	v9 =	vadd.s32 $0x7, v19;
	v19 =	vmov s6;
	v15 =	vshll.u32 v20, v1;
	v20 =	vld [tilespmem:s16+$0x40]  }
0x8b: {  	v22 =	vshll.u32 v22, v1;
	(xrf2) =	vadd.scan.msk.f32 $0xffff, v17;
	v19 =	vshrl.u32 v19, $0x3;
	v18 =	vmax.bf16 v18, v0  }
0x8c: {  	v30 =	vld [tilespmem:s16+$0x60];
	v19 =	vshll.u32 v19, v1;
	v18 =	vmul.bf16 v18, v2;
	v17 =	vsub.bf16 v23, v29  }
0x8d: {  	(xrf2) =	vadd.scan.msk.f32 $0xffff, v10;
	v23 =	vld [tilespmem:s18+$0x60];
	v29 =	vshll.u32 v26, v1;
	v13 =	vmax.bf16 v13, v0;
	v10 =	vunpack.i.u.bf16.f32 v12  }
0x8e: {  	(xrf2) =	vadd.scan.msk.f32 $0xffff, v11;
	v26 =	vmul.bf16 v13, v4;
	v11 =	vunpack.i.l.bf16.f32 v12;
	v16 =	vsub.bf16 v27, v16  }
0x8f: {  	v12 =	vmax.bf16 v17, v0;
	v18 =	vadd.bf16 v14, v18;
	v14 =	vsub.bf16 v21, v20  }
0x90: {  	v10 =	vadd.f32 v11, v10;
	v11 =	vmul.bf16 v12, v5;
	v16 =	vmax.bf16 v16, v0  }
0x91: {  	v24 =	vshll.u32 v24, v1;
	v6 =	vld [tilespmem:s16+$0xFFFFFF00];
	v13 =	vadd.s32 $0x1, v19;
	v16 =	vmul.bf16 v16, v3  }
0x92: {  	v17 =	vld [tilespmem:s18+$0x70];
	v14 =	vmax.bf16 v14, v0;
	v11 =	vadd.bf16 v11, v26;
	v19 =	vsub.bf16 v23, v30  }
0x93: {  	v9 =	vbroadcast v9, $0x0;
	v20 =	vld [tilespmem:s16+$0x70];
	v12 =	vadd.s32 $0x2, v22;
	v22 =	vmul.bf16 v14, v2  }
0x94: {  	v21 =	vld [tilespmem:s18+$0x80];
	v14 =	vadd.s32 $0x3, v15;
	v23 =	vadd.bf16 v11, v18;
	v18 =	vmax.bf16 v19, v0  }
0x95: {  	v26 =	vld [tilespmem:s16+$0x80];
	v15 =	vadd.s32 $0x4, v24;
	v24 =	vmul.bf16 v18, v4;
	v18 =	vadd.bf16 v16, v22;
	v16, _, _ =	vpop (xrf2);
	(xrf2) =	vadd.scan.msk.f32 $0xffff, v10  }
0x96: {  	s17 =	sadd.s32 $0x8, s17;
	v25 =	vshrl.u32 v25, $0x3;
	v30 =	vld [tilespmem:s16+$0x90]  }
0x97: {  	v28 =	vmov s17;
	v25 =	vshll.u32 v25, v1;
	v27 =	vld [tilespmem:s18+$0x90]  }
0x98: {  	v28 =	vshrl.u32 v28, $0x3;
	v7 =	vmul.bf16 v7, v3;
	v19 =	vld [tilespmem:s18+$0xA0];
	v17 =	vsub.bf16 v17, v20  }
0x99: {  	v11 =	vadd.s32 $0x5, v25;
	v25 =	vunpack.i.u.bf16.f32 v23;
	v23 =	vunpack.i.l.bf16.f32 v23;
	v22 =	vld [tilespmem:s16+$0xA0]  }
0x9a: {  	v20 =	vld [tilespmem:s18+$0xB0];
	v17 =	vmax.bf16 v17, v0;
	v31 =	vsub.bf16 v21, v26;
	v21 =	vadd.f32 v23, v25  }
0x9b: {  	v23 =	vld [tilespmem:s16+$0xB0];
	v26 =	vmul.bf16 v17, v5;
	v17 =	vshll.u32 v28, v1;
	[tilespmem:v9+s26+$0x0] =	vst.idx.msk vm0, v16;
	v9, _, _ =	vpop (xrf2)  }
0x9c: {  	s17 =	simm.s32 $0x0;
	v25 =	vld [tilespmem:s18+$0xFFFFFF00];
	s18 =	simm.s32 $0x5300;
	v27 =	vsub.bf16 v27, v30;
	v28 =	vmax.bf16 v31, v0;
	v16 =	vadd.s32 $0x6, v29;
	v10, _, _ =	vpop (xrf2)  }
.LBB2_5:
0x9d: {  	v29 =	vld [tilespmem:s18+$0xC0];
	v13 =	vbroadcast v13, $0x0;
	v24 =	vadd.bf16 v26, v24;
	v26 =	vmul.bf16 v28, v2;
	s16 =	sadd.s32 $0x200, s16;
	(xrf2) =	vadd.scan.msk.f32 $0xffff, v21;
	s19 =	smov.u32 s17  }
0x9e: {  	v12 =	vbroadcast v12, $0x0;
	v21 =	vld [tilespmem:s16+$0xC0];
	v28 =	vmax.bf16 v27, v0;
	v19 =	vsub.bf16 v19, v22  }
0x9f: {  	v14 =	vbroadcast v14, $0x0;
	v22 =	vld [tilespmem:s18+$0xD0];
	v18 =	vadd.bf16 v24, v18;
	v24 =	vmul.bf16 v28, v3;
	v27, _, _ =	vpop (xrf2)  }
0xa0: {  	v15 =	vbroadcast v15, $0x0;
	v28 =	vld [tilespmem:s16+$0xD0];
	v19 =	vmax.bf16 v19, v0;
	v20 =	vsub.bf16 v20, v23  }
0xa1: {  	v23 =	vld [tilespmem:s18+$0xE0];
	v6 =	vsub.bf16 v25, v6;
	v19 =	vmul.bf16 v19, v4;
	v24 =	vadd.bf16 v24, v26  }
0xa2: {  	v26 =	vunpack.i.u.bf16.f32 v18;
	v18 =	vunpack.i.l.bf16.f32 v18;
	v25 =	vld [tilespmem:s16+$0xE0];
	v20 =	vmax.bf16 v20, v0  }
0xa3: {  	v18 =	vadd.f32 v18, v26;
	v30 =	vld [tilespmem:s18+$0xF0];
	v6 =	vmax.bf16 v6, v0;
	v20 =	vmul.bf16 v20, v5  }
0xa4: {  	s17 =	sadd.s32 $0x8, s17;
	v26 =	vld [tilespmem:s16+$0xF0];
	v31 =	vmul.bf16 v6, v2;
	[tilespmem:v13+s26+$0x0] =	vst.idx.msk vm0, v9;
	v13 =	vbroadcast v11, $0x0  }
0xa5: {  	p0 =	slt.u32 s17, $0x78;
	v11 =	vbroadcast v17, $0x0;
	v9 =	vbroadcast v16, $0x0;
	v6 =	vld [tilespmem:s16+$0xFFFFFF00];
	v19 =	vadd.bf16 v20, v19;
	(xrf2) =	vadd.scan.msk.f32 $0xffff, v18  }
0xa6: {  	v16 =	vld [tilespmem:s18+$0xFFFFFF10];
	v7 =	vadd.bf16 v7, v31;
	[tilespmem:v12+s26+$0x0] =	vst.idx.msk vm0, v10  }
0xa7: {  	v12 =	vsub.bf16 v29, v21;
	v10 =	vld [tilespmem:s16+$0xFFFFFF10];
	[tilespmem:v14+s26+$0x0] =	vst.idx.msk vm0, v27;
	v14 =	vadd.bf16 v19, v24;
	v17, _, _ =	vpop (xrf2)  }
0xa8: {  	v19 =	vsub.bf16 v22, v28;
	v20 =	vsub.bf16 v23, v25;
	v18 =	vld [tilespmem:s18+$0xFFFFFF20];
	[tilespmem:v15+s26+$0x0] =	vst.idx.msk vm0, v17  }
0xa9: {  	v7 =	vadd.bf16 v8, v7;
	v15 =	vld [tilespmem:s16+$0xFFFFFF20];
	v17 =	vsub.bf16 v30, v26;
	v8 =	vunpack.i.u.bf16.f32 v14  }
0xaa: {  	v12 =	vmax.bf16 v12, v0;
	v19 =	vmax.bf16 v19, v0;
	v20 =	vmax.bf16 v20, v0;
	v21 =	vld [tilespmem:s18+$0xFFFFFF30]  }
0xab: {  	v12 =	vmul.bf16 v12, v2;
	v19 =	vmul.bf16 v19, v3;
	v22 =	vld [tilespmem:s16+$0xFFFFFF30];
	v17 =	vmax.bf16 v17, v0  }
0xac: {  	v26 =	vmul.bf16 v20, v4;
	v10 =	vsub.bf16 v16, v10;
	v16 =	vld [tilespmem:s18+$0xFFFFFF40];
	v17 =	vmul.bf16 v17, v5  }
0xad: {  	v14 =	vunpack.i.l.bf16.f32 v14;
	v24 =	vunpack.i.u.bf16.f32 v7;
	v25 =	vunpack.i.l.bf16.f32 v7;
	v23 =	vld [tilespmem:s16+$0xFFFFFF40]  }
0xae: {  	v12 =	vadd.bf16 v19, v12;
	v7 =	vmax.bf16 v10, v0;
	v10 =	vld [tilespmem:s18+$0xFFFFFF50];
	v17 =	vadd.bf16 v17, v26  }
0xaf: {  	v19 =	vadd.f32 v25, v24;
	v15 =	vsub.bf16 v18, v15;
	v7 =	vmul.bf16 v7, v3;
	v18 =	vld [tilespmem:s16+$0xFFFFFF50];
	v20, _, _ =	vpop (xrf2)  }
0xb0: {  	v21 =	vsub.bf16 v21, v22;
	v22 =	vld [tilespmem:s18+$0xFFFFFF60];
	v12 =	vadd.bf16 v17, v12;
	[tilespmem:v13+s26+$0x0] =	vst.idx.msk vm0, v20  }
0xb1: {  	v14 =	vadd.f32 v14, v8;
	v13 =	vmax.bf16 v15, v0;
	v15 =	vld [tilespmem:s16+$0xFFFFFF60];
	(xrf2) =	vadd.scan.msk.f32 $0xffff, v19  }
0xb2: {  	v8 =	vsub.bf16 v16, v23;
	v16 =	vld [tilespmem:s18+$0xFFFFFF70];
	v17 =	vunpack.i.u.bf16.f32 v12;
	v12 =	vunpack.i.l.bf16.f32 v12  }
0xb3: {  	v13 =	vmul.bf16 v13, v4;
	v19 =	vmax.bf16 v21, v0;
	v20 =	vld [tilespmem:s16+$0xFFFFFF70];
	v12 =	vadd.f32 v12, v17  }
0xb4: {  	s20 =	sadd.s32 s19, s13;
	v17 =	vmul.bf16 v19, v5;
	v8 =	vmax.bf16 v8, v0;
	v10 =	vsub.bf16 v10, v18;
	v18 =	vld [tilespmem:s18+$0xFFFFFF80]  }
0xb5: {  	s21 =	sadd.s32 $0x9, s20;
	s11 =	sadd.s32 $0xA, s20;
	s19 =	sadd.s32 $0xF, s20;
	v19 =	vmul.bf16 v8, v2;
	v21 =	vld [tilespmem:s16+$0xFFFFFF80];
	(xrf2) =	vadd.scan.msk.f32 $0xffff, v12  }
0xb6: {  	s4 =	sadd.s32 $0xB, s20;
	s5 =	sadd.s32 $0xC, s20;
	s6 =	sadd.s32 $0xD, s20;
	v10 =	vmax.bf16 v10, v0;
	v12 =	vsub.bf16 v22, v15;
	v15 =	vld [tilespmem:s18+$0xFFFFFF90];
	v22 =	vmov s19  }
0xb7: {  	v8 =	vadd.bf16 v17, v13;
	s19 =	sadd.s32 $0x8, s20;
	s20 =	sadd.s32 $0xE, s20;
	v10 =	vmul.bf16 v10, v3;
	v13 =	vld [tilespmem:s16+$0xFFFFFF90];
	v17 =	vshrl.u32 v22, $0x3  }
0xb8: {  	v12 =	vmax.bf16 v12, v0;
	v16 =	vsub.bf16 v16, v20;
	v20 =	vld [tilespmem:s18+$0xFFFFFFA0];
	v17 =	vshll.u32 v17, v1;
	(xrf2) =	vadd.scan.msk.f32 $0xffff, v14  }
0xb9: {  	v12 =	vmul.bf16 v12, v4;
	v10 =	vadd.bf16 v10, v19;
	v14 =	vld [tilespmem:s16+$0xFFFFFFA0];
	v17 =	vadd.s32 $0x7, v17  }
0xba: {  	v16 =	vmax.bf16 v16, v0;
	v18 =	vsub.bf16 v18, v21;
	v19 =	vld [tilespmem:s18+$0xFFFFFFB0];
	v17 =	vbroadcast v17, $0x0  }
0xbb: {  	v23 =	vmov s11;
	v21 =	vmov s21;
	v16 =	vmul.bf16 v16, v5;
	v22 =	vld [tilespmem:s16+$0xFFFFFFB0];
	v24, _, _ =	vpop (xrf2)  }
0xbc: {  	v25 =	vmov s4;
	v18 =	vmax.bf16 v18, v0;
	v13 =	vsub.bf16 v15, v13;
	v15 =	vld [tilespmem:s18+$0xFFFFFFC0];
	[tilespmem:v11+s26+$0x0] =	vst.idx.msk vm0, v24  }
0xbd: {  	v11 =	vadd.bf16 v16, v12;
	v12 =	vmul.bf16 v18, v2;
	v16 =	vld [tilespmem:s16+$0xFFFFFFC0];
	v18 =	vmov s5  }
0xbe: {  	v24 =	vmov s6;
	v13 =	vmax.bf16 v13, v0;
	v14 =	vsub.bf16 v20, v14;
	v20 =	vld [tilespmem:s18+$0xFFFFFFD0]  }
0xbf: {  	v26 =	vmov s20;
	v10 =	vadd.bf16 v11, v10;
	v11 =	vmul.bf16 v13, v3;
	v13 =	vld [tilespmem:s16+$0xFFFFFFD0];
	v27, _, _ =	vpop (xrf2)  }
0xc0: {  	v21 =	vshrl.u32 v21, $0x3;
	v14 =	vmax.bf16 v14, v0;
	v19 =	vsub.bf16 v19, v22;
	v22 =	vld [tilespmem:s18+$0xFFFFFFE0];
	[tilespmem:v17+s26+$0x0] =	vst.idx.msk vm0, v27  }
0xc1: {  	v17 =	vunpack.i.u.bf16.f32 v10;
	v14 =	vmul.bf16 v14, v4;
	v11 =	vadd.bf16 v11, v12;
	v12 =	vld [tilespmem:s16+$0xFFFFFFE0]  }
0xc2: {  	v10 =	vunpack.i.l.bf16.f32 v10;
	v19 =	vmax.bf16 v19, v0;
	v15 =	vsub.bf16 v15, v16;
	v16 =	vld [tilespmem:s18+$0xFFFFFFF0];
	v27, _, _ =	vpop (xrf2)  }
0xc3: {  	v10 =	vadd.f32 v10, v17;
	v17 =	vmul.bf16 v19, v5;
	v19 =	vshrl.u32 v23, $0x3;
	v23 =	vld [tilespmem:s16+$0xFFFFFFF0];
	[tilespmem:v9+s26+$0x0] =	vst.idx.msk vm0, v27  }
0xc4: {  	v9 =	vmax.bf16 v15, v0;
	v13 =	vsub.bf16 v20, v13;
	v15 =	vshrl.u32 v25, $0x3;
	v20 =	vld [tilespmem:s18+$0x0]  }
0xc5: {  	v18 =	vshrl.u32 v18, $0x3;
	v14 =	vadd.bf16 v17, v14;
	v9 =	vmul.bf16 v9, v2;
	v17 =	vld [tilespmem:s16+$0x0];
	(xrf2) =	vadd.scan.msk.f32 $0xffff, v10  }
0xc6: {  	v10 =	vmax.bf16 v13, v0;
	v12 =	vsub.bf16 v22, v12;
	v13 =	vld [tilespmem:s18+$0x10];
	v22 =	vshrl.u32 v24, $0x3  }
0xc7: {  	v24 =	vshrl.u32 v26, $0x3;
	v11 =	vadd.bf16 v14, v11;
	v10 =	vmul.bf16 v10, v3;
	v14 =	vld [tilespmem:s16+$0x10]  }
0xc8: {  	v25 =	vmov s19;
	v12 =	vmax.bf16 v12, v0;
	v16 =	vsub.bf16 v16, v23;
	v23 =	vld [tilespmem:s18+$0x20]  }
0xc9: {  	v26 =	vunpack.i.u.bf16.f32 v11;
	v12 =	vmul.bf16 v12, v4;
	v9 =	vadd.bf16 v10, v9;
	v10 =	vld [tilespmem:s16+$0x20]  }
0xca: {  	v11 =	vunpack.i.l.bf16.f32 v11;
	v16 =	vmax.bf16 v16, v0;
	v17 =	vsub.bf16 v20, v17;
	v20 =	vld [tilespmem:s18+$0x30]  }
0xcb: {  	v21 =	vshll.u32 v21, v1;
	v11 =	vadd.f32 v11, v26;
	v16 =	vmul.bf16 v16, v5;
	v26 =	vld [tilespmem:s16+$0x30]  }
0xcc: {  	v19 =	vshll.u32 v19, v1;
	v17 =	vmax.bf16 v17, v0;
	v13 =	vsub.bf16 v13, v14;
	v14 =	vld [tilespmem:s18+$0x40]  }
0xcd: {  	v15 =	vshll.u32 v15, v1;
	v12 =	vadd.bf16 v16, v12;
	v16 =	vmul.bf16 v17, v2;
	v17 =	vld [tilespmem:s16+$0x40];
	(xrf2) =	vadd.scan.msk.f32 $0xffff, v11  }
0xce: {  	v18 =	vshll.u32 v18, v1;
	v11 =	vmax.bf16 v13, v0;
	v10 =	vsub.bf16 v23, v10;
	v23 =	vld [tilespmem:s18+$0x50]  }
0xcf: {  	v22 =	vshll.u32 v22, v1;
	v12 =	vadd.bf16 v12, v9;
	v11 =	vmul.bf16 v11, v3;
	v27 =	vld [tilespmem:s16+$0x50];
	v9, _, _ =	vpop (xrf2)  }
0xd0: {  	v28 =	vshll.u32 v24, v1;
	v10 =	vmax.bf16 v10, v0;
	v13 =	vsub.bf16 v20, v26;
	v20 =	vld [tilespmem:s18+$0x60]  }
0xd1: {  	v24 =	vunpack.i.u.bf16.f32 v12;
	v10 =	vmul.bf16 v10, v4;
	v11 =	vadd.bf16 v11, v16;
	v16 =	vld [tilespmem:s16+$0x60]  }
0xd2: {  	v12 =	vunpack.i.l.bf16.f32 v12;
	v13 =	vmax.bf16 v13, v0;
	v14 =	vsub.bf16 v14, v17;
	v17 =	vld [tilespmem:s18+$0x70]  }
0xd3: {  	v29 =	vshrl.u32 v25, $0x3;
	v24 =	vadd.f32 v12, v24;
	v25 =	vmul.bf16 v13, v5;
	v26 =	vld [tilespmem:s16+$0x70]  }
0xd4: {  	v13 =	vadd.s32 $0x1, v21;
	v14 =	vmax.bf16 v14, v0;
	v21 =	vsub.bf16 v23, v27;
	v23 =	vld [tilespmem:s18+$0x80]  }
0xd5: {  	v12 =	vadd.s32 $0x2, v19;
	v32 =	vadd.bf16 v25, v10;
	v25 =	vmul.bf16 v14, v2;
	v27 =	vld [tilespmem:s16+$0x80];
	(xrf2) =	vadd.scan.msk.f32 $0xffff, v24  }
0xd6: {  	v14 =	vadd.s32 $0x3, v15;
	v19 =	vmax.bf16 v21, v0;
	v16 =	vsub.bf16 v20, v16;
	v30 =	vld [tilespmem:s18+$0x90]  }
0xd7: {  	v15 =	vadd.s32 $0x4, v18;
	v20 =	vadd.bf16 v32, v11;
	v18 =	vmul.bf16 v19, v3;
	v31 =	vld [tilespmem:s16+$0x90];
	v10, _, _ =	vpop (xrf2)  }
.Ltmp1:
0xd8: {  	v11 =	vadd.s32 $0x5, v22;
	v16 =	vmax.bf16 v16, v0;
	v17 =	vsub.bf16 v17, v26;
	v19 =	vld [tilespmem:s18+$0xA0];
	(pc) =	sbr.rel @p0 .LBB2_5-.Ltmp1, $4  }
0xd9: {  	v21 =	vunpack.i.u.bf16.f32 v20;
	v24 =	vmul.bf16 v16, v4;
	v18 =	vadd.bf16 v18, v25;
	v22 =	vld [tilespmem:s16+$0xA0]  }
0xda: {  	v16 =	vunpack.i.l.bf16.f32 v20;
	v17 =	vmax.bf16 v17, v0;
	v27 =	vsub.bf16 v23, v27;
	v20 =	vld [tilespmem:s18+$0xB0]  }
0xdb: {  	v21 =	vadd.f32 v16, v21;
	v16 =	vadd.s32 $0x6, v28;
	v26 =	vmul.bf16 v17, v5;
	v23 =	vld [tilespmem:s16+$0xB0]  }
0xdc: {  	v17 =	vshll.u32 v29, v1;
	v25 =	vld [tilespmem:s18+$0xFFFFFF00];
	v28 =	vmax.bf16 v27, v0;
	v27 =	vsub.bf16 v30, v31;
	s18 =	sadd.s32 $0x200, s18  }
0xdd: {  	_ =	sdelay $0x3  }
0xde: {  	v19 =	vsub.bf16 v19, v22;
	v6 =	vsub.bf16 v25, v6  }
0xdf: {  	v24 =	vadd.bf16 v26, v24;
	v22 =	vmul.bf16 v28, v2;
	v20 =	vsub.bf16 v20, v23  }
0xe0: {  	v19 =	vmax.bf16 v19, v0;
	v25 =	vmax.bf16 v27, v0;
	v6 =	vmax.bf16 v6, v0  }
0xe1: {  	v19 =	vmul.bf16 v19, v4;
	v20 =	vmax.bf16 v20, v0;
	v6 =	vmul.bf16 v6, v2  }
0xe2: {  	v23 =	vmul.bf16 v25, v3;
	v20 =	vmul.bf16 v20, v5  }
0xe3: {  	v18 =	vadd.bf16 v24, v18;
	v6 =	vadd.bf16 v7, v6  }
0xe4: {  	v19 =	vadd.bf16 v20, v19;
	v7 =	vadd.bf16 v23, v22  }
0xe5: {  	v6 =	vadd.bf16 v8, v6  }
0xe6: {  	v8 =	vunpack.i.u.bf16.f32 v18;
	v18 =	vunpack.i.l.bf16.f32 v18;
	v7 =	vadd.bf16 v19, v7  }
0xe7: {  	v8 =	vadd.f32 v18, v8;
	v18 =	vunpack.i.u.bf16.f32 v6;
	v6 =	vunpack.i.l.bf16.f32 v6  }
0xe8: {  	(xrf2) =	vadd.scan.msk.f32 $0xffff, v21;
	v19 =	vunpack.i.u.bf16.f32 v7;
	v7 =	vunpack.i.l.bf16.f32 v7;
	v6 =	vadd.f32 v6, v18  }
0xe9: {  	(xrf2) =	vadd.scan.msk.f32 $0xffff, v8;
	v7 =	vadd.f32 v7, v19  }
0xea: {  	v8 =	vbroadcast v13, $0x0;
	(xrf2) =	vadd.scan.msk.f32 $0xffff, v6  }
0xeb: {  	v6 =	vbroadcast v12, $0x0;
	(xrf2) =	vadd.scan.msk.f32 $0xffff, v7  }
0xec: {  	v7 =	vbroadcast v14, $0x0  }
0xed: {  	v12 =	vbroadcast v15, $0x0  }
0xee: {  	v11 =	vbroadcast v11, $0x0  }
0xef: {  	v13 =	vbroadcast v17, $0x0  }
0xf0: {  	[tilespmem:v8+s26+$0x0] =	vst.idx.msk vm0, v9;
	v8 =	vbroadcast v16, $0x0  }
0xf1: {  	v9, _, _ =	vpop (xrf2);
	[tilespmem:v6+s26+$0x0] =	vst.idx.msk vm0, v10  }
0xf2: {  	v6, _, _ =	vpop (xrf2);
	[tilespmem:v7+s26+$0x0] =	vst.idx.msk vm0, v9  }
0xf3: {  	[tilespmem:v12+s26+$0x0] =	vst.idx.msk vm0, v6;
	v6, _, _ =	vpop (xrf2)  }
0xf4: {  	[tilespmem:v11+s26+$0x0] =	vst.idx.msk vm0, v6;
	v6, _, _ =	vpop (xrf2)  }
0xf5: {  	p0 =	seq.s32 s14, $0x13;
	[tilespmem:v13+s26+$0x0] =	vst.idx.msk vm0, v6;
	v6, _, _ =	vpop (xrf2)  }
0xf6: {  	s4 =	sadd.s32 @!p0 $0x200, s15;
	s5 =	simm.s32 @!p0 $0x80;
	s6 =	simm.s32 @!p0 $0x5000;
	[tilespmem:v8+s26+$0x0] =	vst.idx.msk vm0, v6  }
0xf7: {  	[tilespmem:s6], [sflag:$0x1] =	stream.indirect.gather @!p0 [hbm4b:s3+s5], $0x40, s4, s5, $0xb8;
	[tilespmem:$0x17840] =	vst v63  }
0xf8: {  	s4 =	sadd.s32 @!p0 $0x2A00, s15;
	s6 =	simm.s32 @!p0 $0xD000  }
0xf9: {  	[tilespmem:s6], [sflag:$0x5] =	stream.indirect.gather @!p0 [hbm4b:s3+s5], $0x40, s4, s5, $0xb8;
	[tilespmem:$0x17840] =	vst v63  }
0xfa: {  	_ =	swait.ge [sflag:s28], $0x2000  }
0xfb: {  	[sflag:s28] =	ssyncset.done $0x0  }
0xfc: {  	[sflag:s28] =	ssyncadd.s32 $0xFFFFE000  }
0xfd: {  	_ =	swait.ge [sflag:s29], $0x2000  }
0xfe: {  	[sflag:s29] =	ssyncset.done $0x0  }
0xff: {  	s18 =	simm.s32 $0x7100;
	[sflag:s29] =	ssyncadd.s32 $0xFFFFE000  }
0x100: {  	s16 =	simm.s32 $0xF100;
	v7 =	vld [tilespmem:s18+$0xC0]  }
0x101: {  	v8 =	vld [tilespmem:s16+$0xC0]  }
0x102: {  	v9 =	vld [tilespmem:s18+$0xD0]  }
0x103: {  	v10 =	vld [tilespmem:s16+$0xD0]  }
0x104: {  	v11 =	vld [tilespmem:s18+$0xE0]  }
0x105: {  	v12 =	vld [tilespmem:s16+$0xE0]  }
0x106: {  	v13 =	vld [tilespmem:s18+$0xF0]  }
0x107: {  	v14 =	vld [tilespmem:s16+$0xF0]  }
0x108: {  	v15 =	vld [tilespmem:s18+$0xFFFFFF10]  }
0x109: {  	v16 =	vld [tilespmem:s16+$0xFFFFFF10]  }
0x10a: {  	v17 =	vld [tilespmem:s18+$0xFFFFFF40]  }
0x10b: {  	v18 =	vld [tilespmem:s16+$0xFFFFFF40];
	v7 =	vsub.bf16 v7, v8;
	v9 =	vsub.bf16 v9, v10  }
0x10c: {  	v8 =	vld [tilespmem:s18+$0xFFFFFF20];
	v10 =	vsub.bf16 v11, v12;
	v12 =	vsub.bf16 v13, v14  }
0x10d: {  	v11 =	vld [tilespmem:s16+$0xFFFFFF20]  }
0x10e: {  	v13 =	vld [tilespmem:s18+$0xFFFFFF30];
	v10 =	vmax.bf16 v10, v0;
	v12 =	vmax.bf16 v12, v0  }
0x10f: {  	v14 =	vld [tilespmem:s16+$0xFFFFFF30];
	v10 =	vmul.bf16 v10, v4;
	v12 =	vmul.bf16 v12, v5  }
0x110: {  	v15 =	vsub.bf16 v15, v16;
	v16 =	vld [tilespmem:s18+$0xFFFFFF50];
	v7 =	vmax.bf16 v7, v0;
	v9 =	vmax.bf16 v9, v0  }
0x111: {  	v7 =	vmul.bf16 v7, v2;
	v9 =	vmul.bf16 v9, v3;
	v10 =	vadd.bf16 v12, v10;
	v12 =	vld [tilespmem:s16+$0xFFFFFF50]  }
0x112: {  	v8 =	vsub.bf16 v8, v11;
	v11 =	vld [tilespmem:s18+$0xFFFFFF60]  }
0x113: {  	v9 =	vadd.bf16 v9, v7;
	v7 =	vmax.bf16 v15, v0;
	v15 =	vld [tilespmem:s18+$0xFFFFFF70]  }
0x114: {  	v13 =	vsub.bf16 v13, v14;
	v14 =	vsub.bf16 v17, v18;
	v18 =	vld [tilespmem:s16+$0xFFFFFF70]  }
0x115: {  	v9 =	vadd.bf16 v10, v9;
	v10 =	vld [tilespmem:s16+$0xFFFFFF60]  }
0x116: {  	v20 =	vld [tilespmem:s16+$0xFFFFFFA0];
	v8 =	vmax.bf16 v8, v0;
	v13 =	vmax.bf16 v13, v0;
	v14 =	vmax.bf16 v14, v0  }
0x117: {  	v17 =	vunpack.i.u.bf16.f32 v9;
	v9 =	vunpack.i.l.bf16.f32 v9;
	v12 =	vsub.bf16 v16, v12;
	v16 =	vld [tilespmem:s18+$0xFFFFFF80]  }
0x118: {  	v17 =	vadd.f32 v9, v17;
	v9 =	vmul.bf16 v13, v5;
	v13 =	vmul.bf16 v14, v2;
	v14 =	vld [tilespmem:s16+$0xFFFFFF80]  }
0x119: {  	v8 =	vmul.bf16 v8, v4;
	v15 =	vsub.bf16 v15, v18;
	v18 =	vld [tilespmem:s18+$0xFFFFFFA0]  }
0x11a: {  	v12 =	vmax.bf16 v12, v0;
	v10 =	vsub.bf16 v11, v10;
	v11 =	vld [tilespmem:s18+$0xFFFFFF90]  }
0x11b: {  	v8 =	vadd.bf16 v9, v8;
	v9 =	vmul.bf16 v12, v3;
	v12 =	vld [tilespmem:s16+$0xFFFFFF90]  }
0x11c: {  	v21 =	vld [tilespmem:s16+$0xFFFFFFB0];
	v15 =	vmax.bf16 v15, v0;
	v10 =	vmax.bf16 v10, v0  }
0x11d: {  	v15 =	vmul.bf16 v15, v5;
	v10 =	vmul.bf16 v10, v4;
	v14 =	vsub.bf16 v16, v14;
	v16 =	vld [tilespmem:s18+$0xFFFFFFB0]  }
0x11e: {  	v13 =	vadd.bf16 v9, v13  }
0x11f: {  	v18 =	vsub.bf16 v18, v20;
	v20 =	vld [tilespmem:s18+$0xFFFFFFD0];
	v10 =	vadd.bf16 v15, v10  }
0x120: {  	v15 =	vld [tilespmem:s16+$0xFFFFFFC0];
	v11 =	vsub.bf16 v11, v12  }
0x121: {  	v14 =	vmax.bf16 v14, v0;
	v12 =	vld [tilespmem:s18+$0xFFFFFFC0];
	v10 =	vadd.bf16 v10, v13  }
0x122: {  	v14 =	vmul.bf16 v14, v2;
	v13 =	vld [tilespmem:s16+$0xFFFFFFD0];
	v11 =	vmax.bf16 v11, v0;
	v16 =	vsub.bf16 v16, v21  }
0x123: {  	v21 =	vld [tilespmem:s18+$0xFFFFFFE0];
	v11 =	vmul.bf16 v11, v3;
	v27 =	vunpack.i.u.bf16.f32 v10;
	v10 =	vunpack.i.l.bf16.f32 v10  }
0x124: {  	s17 =	sadd.s32 $0xFFFFFFF8, s13;
	v18 =	vmax.bf16 v18, v0;
	v16 =	vmax.bf16 v16, v0;
	v10 =	vadd.f32 v10, v27;
	v27 =	vld [tilespmem:s16+$0xFFFFFFF0]  }
0x125: {  	s7 =	sadd.s32 $0x8B, s17;
	v18 =	vmul.bf16 v18, v4;
	v11 =	vadd.bf16 v11, v14;
	v14 =	vld [tilespmem:s16+$0xFFFFFFE0];
	v16 =	vmul.bf16 v16, v5  }
0x126: {  	v23 =	vmov s7;
	v12 =	vsub.bf16 v12, v15;
	v15 =	vld [tilespmem:s18+$0xFFFFFFF0]  }
0x127: {  	s11 =	sadd.s32 $0x8C, s17;
	s20 =	sadd.s32 $0x8E, s17;
	v13 =	vsub.bf16 v20, v13;
	v20 =	vshrl.u32 v23, $0x3;
	v23 =	vld [tilespmem:s18+$0x0];
	v16 =	vadd.bf16 v16, v18  }
0x128: {  	v24 =	vmov s11;
	v26 =	vmov s20;
	v18 =	vld [tilespmem:s16+$0x0]  }
0x129: {  	v12 =	vmax.bf16 v12, v0;
	v13 =	vmax.bf16 v13, v0;
	v11 =	vadd.bf16 v16, v11;
	v16 =	vld [tilespmem:s16+$0x10]  }
0x12a: {  	v12 =	vmul.bf16 v12, v2;
	v13 =	vmul.bf16 v13, v3;
	v14 =	vsub.bf16 v21, v14;
	v21 =	vld [tilespmem:s18+$0x10]  }
0x12b: {  	v24 =	vshrl.u32 v24, $0x3;
	v26 =	vshrl.u32 v26, $0x3;
	v15 =	vsub.bf16 v15, v27;
	v27 =	vld [tilespmem:s18+$0x20]  }
0x12c: {  	v24 =	vshll.u32 v24, v1;
	v29 =	vunpack.i.u.bf16.f32 v11;
	v12 =	vadd.bf16 v13, v12;
	v13 =	vld [tilespmem:s16+$0x20]  }
0x12d: {  	v11 =	vunpack.i.l.bf16.f32 v11;
	v14 =	vmax.bf16 v14, v0;
	v15 =	vmax.bf16 v15, v0  }
0x12e: {  	s21 =	sadd.s32 $0x8F, s17;
	v18 =	vsub.bf16 v23, v18;
	v23 =	vld [tilespmem:s18+$0x30];
	v14 =	vmul.bf16 v14, v4;
	v15 =	vmul.bf16 v15, v5  }
0x12f: {  	s19 =	sadd.s32 $0x8D, s17;
	v19 =	vmov s21;
	v11 =	vadd.f32 v11, v29;
	v29 =	vld [tilespmem:s16+$0x30];
	v16 =	vsub.bf16 v21, v16  }
0x130: {  	v25 =	vmov s19;
	v19 =	vshrl.u32 v19, $0x3;
	v21 =	vld [tilespmem:s18+$0x40];
	v14 =	vadd.bf16 v15, v14  }
0x131: {  	v19 =	vshll.u32 v19, v1;
	s6 =	sadd.s32 $0x8A, s17;
	v13 =	vsub.bf16 v27, v13;
	v27 =	vld [tilespmem:s18+$0x50];
	v16 =	vmax.bf16 v16, v0  }
0x132: {  	s5 =	sadd.s32 $0x89, s17;
	v22 =	vmov s6;
	v12 =	vadd.bf16 v14, v12;
	v14 =	vmul.bf16 v16, v3;
	v16 =	vld [tilespmem:s16+$0x50]  }
0x133: {  	v9 =	vadd.s32 $0x7, v19;
	v19 =	vmov s5;
	v15 =	vshll.u32 v20, v1;
	v20 =	vld [tilespmem:s16+$0x40]  }
0x134: {  	v22 =	vshrl.u32 v22, $0x3;
	(xrf2) =	vadd.scan.msk.f32 $0xffff, v17;
	v19 =	vshrl.u32 v19, $0x3;
	v18 =	vmax.bf16 v18, v0  }
0x135: {  	v30 =	vld [tilespmem:s16+$0x60];
	v19 =	vshll.u32 v19, v1;
	v18 =	vmul.bf16 v18, v2;
	v17 =	vsub.bf16 v23, v29  }
0x136: {  	(xrf2) =	vadd.scan.msk.f32 $0xffff, v10;
	v23 =	vld [tilespmem:s18+$0x60];
	v29 =	vshll.u32 v26, v1;
	v13 =	vmax.bf16 v13, v0;
	v10 =	vunpack.i.u.bf16.f32 v12  }
0x137: {  	(xrf2) =	vadd.scan.msk.f32 $0xffff, v11;
	v26 =	vmul.bf16 v13, v4;
	v11 =	vunpack.i.l.bf16.f32 v12;
	v16 =	vsub.bf16 v27, v16  }
0x138: {  	v12 =	vmax.bf16 v17, v0;
	v18 =	vadd.bf16 v14, v18;
	v14 =	vsub.bf16 v21, v20  }
0x139: {  	v10 =	vadd.f32 v11, v10;
	v11 =	vmul.bf16 v12, v5;
	v16 =	vmax.bf16 v16, v0  }
0x13a: {  	v22 =	vshll.u32 v22, v1;
	v6 =	vld [tilespmem:s16+$0xFFFFFF00];
	v13 =	vadd.s32 $0x1, v19;
	v16 =	vmul.bf16 v16, v3  }
0x13b: {  	v17 =	vld [tilespmem:s18+$0x70];
	v14 =	vmax.bf16 v14, v0;
	v11 =	vadd.bf16 v11, v26;
	v19 =	vsub.bf16 v23, v30  }
0x13c: {  	v9 =	vbroadcast v9, $0x0;
	v20 =	vld [tilespmem:s16+$0x70];
	v12 =	vadd.s32 $0x2, v22;
	v22 =	vmul.bf16 v14, v2  }
0x13d: {  	v21 =	vld [tilespmem:s18+$0x80];
	v14 =	vadd.s32 $0x3, v15;
	v23 =	vadd.bf16 v11, v18;
	v18 =	vmax.bf16 v19, v0  }
0x13e: {  	v26 =	vld [tilespmem:s16+$0x80];
	v15 =	vadd.s32 $0x4, v24;
	v24 =	vmul.bf16 v18, v4;
	v18 =	vadd.bf16 v16, v22;
	v16, _, _ =	vpop (xrf2);
	(xrf2) =	vadd.scan.msk.f32 $0xffff, v10  }
0x13f: {  	v25 =	vshrl.u32 v25, $0x3;
	s21 =	sadd.s32 $0x88, s17;
	v30 =	vld [tilespmem:s16+$0x90]  }
0x140: {  	v25 =	vshll.u32 v25, v1;
	v28 =	vmov s21;
	v27 =	vld [tilespmem:s18+$0x90]  }
0x141: {  	v28 =	vshrl.u32 v28, $0x3;
	v7 =	vmul.bf16 v7, v3;
	v19 =	vld [tilespmem:s18+$0xA0];
	v17 =	vsub.bf16 v17, v20  }
0x142: {  	v11 =	vadd.s32 $0x5, v25;
	v25 =	vunpack.i.u.bf16.f32 v23;
	v23 =	vunpack.i.l.bf16.f32 v23;
	v22 =	vld [tilespmem:s16+$0xA0]  }
0x143: {  	v20 =	vld [tilespmem:s18+$0xB0];
	v17 =	vmax.bf16 v17, v0;
	v31 =	vsub.bf16 v21, v26;
	v21 =	vadd.f32 v23, v25  }
0x144: {  	v23 =	vld [tilespmem:s16+$0xB0];
	v26 =	vmul.bf16 v17, v5;
	v17 =	vshll.u32 v28, v1;
	[tilespmem:v9+s26+$0x0] =	vst.idx.msk vm0, v16;
	v9, _, _ =	vpop (xrf2)  }
0x145: {  	s17 =	simm.s32 $0x0;
	v25 =	vld [tilespmem:s18+$0xFFFFFF00];
	s18 =	simm.s32 $0x7300;
	v27 =	vsub.bf16 v27, v30;
	v28 =	vmax.bf16 v31, v0;
	v16 =	vadd.s32 $0x6, v29;
	v10, _, _ =	vpop (xrf2)  }
.LBB2_7:
0x146: {  	v29 =	vld [tilespmem:s18+$0xC0];
	v13 =	vbroadcast v13, $0x0;
	v24 =	vadd.bf16 v26, v24;
	v26 =	vmul.bf16 v28, v2;
	s16 =	sadd.s32 $0x200, s16;
	(xrf2) =	vadd.scan.msk.f32 $0xffff, v21;
	s19 =	smov.u32 s17  }
0x147: {  	v12 =	vbroadcast v12, $0x0;
	v21 =	vld [tilespmem:s16+$0xC0];
	v28 =	vmax.bf16 v27, v0;
	v19 =	vsub.bf16 v19, v22  }
0x148: {  	v14 =	vbroadcast v14, $0x0;
	v22 =	vld [tilespmem:s18+$0xD0];
	v18 =	vadd.bf16 v24, v18;
	v24 =	vmul.bf16 v28, v3;
	v27, _, _ =	vpop (xrf2)  }
0x149: {  	v15 =	vbroadcast v15, $0x0;
	v28 =	vld [tilespmem:s16+$0xD0];
	v19 =	vmax.bf16 v19, v0;
	v20 =	vsub.bf16 v20, v23  }
0x14a: {  	v23 =	vld [tilespmem:s18+$0xE0];
	v6 =	vsub.bf16 v25, v6;
	v19 =	vmul.bf16 v19, v4;
	v24 =	vadd.bf16 v24, v26  }
0x14b: {  	v26 =	vunpack.i.u.bf16.f32 v18;
	v18 =	vunpack.i.l.bf16.f32 v18;
	v25 =	vld [tilespmem:s16+$0xE0];
	v20 =	vmax.bf16 v20, v0  }
0x14c: {  	v18 =	vadd.f32 v18, v26;
	v30 =	vld [tilespmem:s18+$0xF0];
	v6 =	vmax.bf16 v6, v0;
	v20 =	vmul.bf16 v20, v5  }
0x14d: {  	s17 =	sadd.s32 $0x8, s17;
	v26 =	vld [tilespmem:s16+$0xF0];
	v31 =	vmul.bf16 v6, v2;
	[tilespmem:v13+s26+$0x0] =	vst.idx.msk vm0, v9;
	v13 =	vbroadcast v11, $0x0  }
0x14e: {  	p1 =	slt.u32 s17, $0x78;
	v11 =	vbroadcast v17, $0x0;
	v9 =	vbroadcast v16, $0x0;
	v6 =	vld [tilespmem:s16+$0xFFFFFF00];
	v19 =	vadd.bf16 v20, v19;
	(xrf2) =	vadd.scan.msk.f32 $0xffff, v18  }
0x14f: {  	v16 =	vld [tilespmem:s18+$0xFFFFFF10];
	v7 =	vadd.bf16 v7, v31;
	[tilespmem:v12+s26+$0x0] =	vst.idx.msk vm0, v10  }
0x150: {  	v12 =	vsub.bf16 v29, v21;
	v10 =	vld [tilespmem:s16+$0xFFFFFF10];
	[tilespmem:v14+s26+$0x0] =	vst.idx.msk vm0, v27;
	v14 =	vadd.bf16 v19, v24;
	v17, _, _ =	vpop (xrf2)  }
0x151: {  	v19 =	vsub.bf16 v22, v28;
	v20 =	vsub.bf16 v23, v25;
	v18 =	vld [tilespmem:s18+$0xFFFFFF20];
	[tilespmem:v15+s26+$0x0] =	vst.idx.msk vm0, v17  }
0x152: {  	v7 =	vadd.bf16 v8, v7;
	v15 =	vld [tilespmem:s16+$0xFFFFFF20];
	v17 =	vsub.bf16 v30, v26;
	v8 =	vunpack.i.u.bf16.f32 v14  }
0x153: {  	v12 =	vmax.bf16 v12, v0;
	v19 =	vmax.bf16 v19, v0;
	v20 =	vmax.bf16 v20, v0;
	v21 =	vld [tilespmem:s18+$0xFFFFFF30]  }
0x154: {  	v12 =	vmul.bf16 v12, v2;
	v19 =	vmul.bf16 v19, v3;
	v22 =	vld [tilespmem:s16+$0xFFFFFF30];
	v17 =	vmax.bf16 v17, v0  }
0x155: {  	v26 =	vmul.bf16 v20, v4;
	v10 =	vsub.bf16 v16, v10;
	v16 =	vld [tilespmem:s18+$0xFFFFFF40];
	v17 =	vmul.bf16 v17, v5  }
0x156: {  	v14 =	vunpack.i.l.bf16.f32 v14;
	v24 =	vunpack.i.u.bf16.f32 v7;
	v25 =	vunpack.i.l.bf16.f32 v7;
	v23 =	vld [tilespmem:s16+$0xFFFFFF40]  }
0x157: {  	v12 =	vadd.bf16 v19, v12;
	v7 =	vmax.bf16 v10, v0;
	v10 =	vld [tilespmem:s18+$0xFFFFFF50];
	v17 =	vadd.bf16 v17, v26  }
0x158: {  	v19 =	vadd.f32 v25, v24;
	v15 =	vsub.bf16 v18, v15;
	v7 =	vmul.bf16 v7, v3;
	v18 =	vld [tilespmem:s16+$0xFFFFFF50];
	v20, _, _ =	vpop (xrf2)  }
0x159: {  	v21 =	vsub.bf16 v21, v22;
	v22 =	vld [tilespmem:s18+$0xFFFFFF60];
	v12 =	vadd.bf16 v17, v12;
	[tilespmem:v13+s26+$0x0] =	vst.idx.msk vm0, v20  }
0x15a: {  	v14 =	vadd.f32 v14, v8;
	v13 =	vmax.bf16 v15, v0;
	v15 =	vld [tilespmem:s16+$0xFFFFFF60];
	(xrf2) =	vadd.scan.msk.f32 $0xffff, v19  }
0x15b: {  	v8 =	vsub.bf16 v16, v23;
	v16 =	vld [tilespmem:s18+$0xFFFFFF70];
	v17 =	vunpack.i.u.bf16.f32 v12;
	v12 =	vunpack.i.l.bf16.f32 v12  }
0x15c: {  	v13 =	vmul.bf16 v13, v4;
	v19 =	vmax.bf16 v21, v0;
	v20 =	vld [tilespmem:s16+$0xFFFFFF70];
	v12 =	vadd.f32 v12, v17  }
0x15d: {  	s4 =	sadd.s32 s19, s13;
	v17 =	vmul.bf16 v19, v5;
	v8 =	vmax.bf16 v8, v0;
	v10 =	vsub.bf16 v10, v18;
	v18 =	vld [tilespmem:s18+$0xFFFFFF80]  }
0x15e: {  	s5 =	sadd.s32 $0x89, s4;
	s6 =	sadd.s32 $0x8A, s4;
	s11 =	sadd.s32 $0x8F, s4;
	v19 =	vmul.bf16 v8, v2;
	v21 =	vld [tilespmem:s16+$0xFFFFFF80];
	(xrf2) =	vadd.scan.msk.f32 $0xffff, v12  }
0x15f: {  	s20 =	sadd.s32 $0x8B, s4;
	s21 =	sadd.s32 $0x8C, s4;
	s7 =	sadd.s32 $0x8D, s4;
	v10 =	vmax.bf16 v10, v0;
	v12 =	vsub.bf16 v22, v15;
	v15 =	vld [tilespmem:s18+$0xFFFFFF90];
	v22 =	vmov s11  }
0x160: {  	s19 =	sadd.s32 $0x88, s4;
	s4 =	sadd.s32 $0x8E, s4;
	v8 =	vadd.bf16 v17, v13;
	v10 =	vmul.bf16 v10, v3;
	v13 =	vld [tilespmem:s16+$0xFFFFFF90];
	v17 =	vshrl.u32 v22, $0x3  }
0x161: {  	v12 =	vmax.bf16 v12, v0;
	v16 =	vsub.bf16 v16, v20;
	v20 =	vld [tilespmem:s18+$0xFFFFFFA0];
	v17 =	vshll.u32 v17, v1;
	(xrf2) =	vadd.scan.msk.f32 $0xffff, v14  }
0x162: {  	v12 =	vmul.bf16 v12, v4;
	v10 =	vadd.bf16 v10, v19;
	v14 =	vld [tilespmem:s16+$0xFFFFFFA0];
	v17 =	vadd.s32 $0x7, v17  }
0x163: {  	v16 =	vmax.bf16 v16, v0;
	v18 =	vsub.bf16 v18, v21;
	v19 =	vld [tilespmem:s18+$0xFFFFFFB0];
	v17 =	vbroadcast v17, $0x0  }
0x164: {  	v23 =	vmov s6;
	v21 =	vmov s5;
	v16 =	vmul.bf16 v16, v5;
	v22 =	vld [tilespmem:s16+$0xFFFFFFB0];
	v24, _, _ =	vpop (xrf2)  }
0x165: {  	v25 =	vmov s20;
	v18 =	vmax.bf16 v18, v0;
	v13 =	vsub.bf16 v15, v13;
	v15 =	vld [tilespmem:s18+$0xFFFFFFC0];
	[tilespmem:v11+s26+$0x0] =	vst.idx.msk vm0, v24  }
0x166: {  	v11 =	vadd.bf16 v16, v12;
	v12 =	vmul.bf16 v18, v2;
	v16 =	vld [tilespmem:s16+$0xFFFFFFC0];
	v18 =	vmov s21  }
0x167: {  	v24 =	vmov s7;
	v13 =	vmax.bf16 v13, v0;
	v14 =	vsub.bf16 v20, v14;
	v20 =	vld [tilespmem:s18+$0xFFFFFFD0]  }
0x168: {  	v26 =	vmov s4;
	v10 =	vadd.bf16 v11, v10;
	v11 =	vmul.bf16 v13, v3;
	v13 =	vld [tilespmem:s16+$0xFFFFFFD0];
	v27, _, _ =	vpop (xrf2)  }
0x169: {  	v21 =	vshrl.u32 v21, $0x3;
	v14 =	vmax.bf16 v14, v0;
	v19 =	vsub.bf16 v19, v22;
	v22 =	vld [tilespmem:s18+$0xFFFFFFE0];
	[tilespmem:v17+s26+$0x0] =	vst.idx.msk vm0, v27  }
0x16a: {  	v17 =	vunpack.i.u.bf16.f32 v10;
	v14 =	vmul.bf16 v14, v4;
	v11 =	vadd.bf16 v11, v12;
	v12 =	vld [tilespmem:s16+$0xFFFFFFE0]  }
0x16b: {  	v10 =	vunpack.i.l.bf16.f32 v10;
	v19 =	vmax.bf16 v19, v0;
	v15 =	vsub.bf16 v15, v16;
	v16 =	vld [tilespmem:s18+$0xFFFFFFF0];
	v27, _, _ =	vpop (xrf2)  }
0x16c: {  	v10 =	vadd.f32 v10, v17;
	v17 =	vmul.bf16 v19, v5;
	v19 =	vshrl.u32 v23, $0x3;
	v23 =	vld [tilespmem:s16+$0xFFFFFFF0];
	[tilespmem:v9+s26+$0x0] =	vst.idx.msk vm0, v27  }
0x16d: {  	v9 =	vmax.bf16 v15, v0;
	v13 =	vsub.bf16 v20, v13;
	v15 =	vshrl.u32 v25, $0x3;
	v20 =	vld [tilespmem:s18+$0x0]  }
0x16e: {  	v18 =	vshrl.u32 v18, $0x3;
	v14 =	vadd.bf16 v17, v14;
	v9 =	vmul.bf16 v9, v2;
	v17 =	vld [tilespmem:s16+$0x0];
	(xrf2) =	vadd.scan.msk.f32 $0xffff, v10  }
0x16f: {  	v10 =	vmax.bf16 v13, v0;
	v12 =	vsub.bf16 v22, v12;
	v13 =	vld [tilespmem:s18+$0x10];
	v22 =	vshrl.u32 v24, $0x3  }
0x170: {  	v24 =	vshrl.u32 v26, $0x3;
	v11 =	vadd.bf16 v14, v11;
	v10 =	vmul.bf16 v10, v3;
	v14 =	vld [tilespmem:s16+$0x10]  }
0x171: {  	v25 =	vmov s19;
	v12 =	vmax.bf16 v12, v0;
	v16 =	vsub.bf16 v16, v23;
	v23 =	vld [tilespmem:s18+$0x20]  }
0x172: {  	v26 =	vunpack.i.u.bf16.f32 v11;
	v12 =	vmul.bf16 v12, v4;
	v9 =	vadd.bf16 v10, v9;
	v10 =	vld [tilespmem:s16+$0x20]  }
0x173: {  	v11 =	vunpack.i.l.bf16.f32 v11;
	v16 =	vmax.bf16 v16, v0;
	v17 =	vsub.bf16 v20, v17;
	v20 =	vld [tilespmem:s18+$0x30]  }
0x174: {  	v21 =	vshll.u32 v21, v1;
	v11 =	vadd.f32 v11, v26;
	v16 =	vmul.bf16 v16, v5;
	v26 =	vld [tilespmem:s16+$0x30]  }
0x175: {  	v19 =	vshll.u32 v19, v1;
	v17 =	vmax.bf16 v17, v0;
	v13 =	vsub.bf16 v13, v14;
	v14 =	vld [tilespmem:s18+$0x40]  }
0x176: {  	v15 =	vshll.u32 v15, v1;
	v12 =	vadd.bf16 v16, v12;
	v16 =	vmul.bf16 v17, v2;
	v17 =	vld [tilespmem:s16+$0x40];
	(xrf2) =	vadd.scan.msk.f32 $0xffff, v11  }
0x177: {  	v18 =	vshll.u32 v18, v1;
	v11 =	vmax.bf16 v13, v0;
	v10 =	vsub.bf16 v23, v10;
	v23 =	vld [tilespmem:s18+$0x50]  }
0x178: {  	v22 =	vshll.u32 v22, v1;
	v12 =	vadd.bf16 v12, v9;
	v11 =	vmul.bf16 v11, v3;
	v27 =	vld [tilespmem:s16+$0x50];
	v9, _, _ =	vpop (xrf2)  }
0x179: {  	v28 =	vshll.u32 v24, v1;
	v10 =	vmax.bf16 v10, v0;
	v13 =	vsub.bf16 v20, v26;
	v20 =	vld [tilespmem:s18+$0x60]  }
0x17a: {  	v24 =	vunpack.i.u.bf16.f32 v12;
	v10 =	vmul.bf16 v10, v4;
	v11 =	vadd.bf16 v11, v16;
	v16 =	vld [tilespmem:s16+$0x60]  }
0x17b: {  	v12 =	vunpack.i.l.bf16.f32 v12;
	v13 =	vmax.bf16 v13, v0;
	v14 =	vsub.bf16 v14, v17;
	v17 =	vld [tilespmem:s18+$0x70]  }
0x17c: {  	v29 =	vshrl.u32 v25, $0x3;
	v24 =	vadd.f32 v12, v24;
	v25 =	vmul.bf16 v13, v5;
	v26 =	vld [tilespmem:s16+$0x70]  }
0x17d: {  	v13 =	vadd.s32 $0x1, v21;
	v14 =	vmax.bf16 v14, v0;
	v21 =	vsub.bf16 v23, v27;
	v23 =	vld [tilespmem:s18+$0x80]  }
0x17e: {  	v12 =	vadd.s32 $0x2, v19;
	v32 =	vadd.bf16 v25, v10;
	v25 =	vmul.bf16 v14, v2;
	v27 =	vld [tilespmem:s16+$0x80];
	(xrf2) =	vadd.scan.msk.f32 $0xffff, v24  }
0x17f: {  	v14 =	vadd.s32 $0x3, v15;
	v19 =	vmax.bf16 v21, v0;
	v16 =	vsub.bf16 v20, v16;
	v30 =	vld [tilespmem:s18+$0x90]  }
0x180: {  	v15 =	vadd.s32 $0x4, v18;
	v20 =	vadd.bf16 v32, v11;
	v18 =	vmul.bf16 v19, v3;
	v31 =	vld [tilespmem:s16+$0x90];
	v10, _, _ =	vpop (xrf2)  }
.Ltmp2:
0x181: {  	v11 =	vadd.s32 $0x5, v22;
	v16 =	vmax.bf16 v16, v0;
	v17 =	vsub.bf16 v17, v26;
	v19 =	vld [tilespmem:s18+$0xA0];
	(pc) =	sbr.rel @p1 .LBB2_7-.Ltmp2, $4  }
0x182: {  	v21 =	vunpack.i.u.bf16.f32 v20;
	v24 =	vmul.bf16 v16, v4;
	v18 =	vadd.bf16 v18, v25;
	v22 =	vld [tilespmem:s16+$0xA0]  }
0x183: {  	v16 =	vunpack.i.l.bf16.f32 v20;
	v17 =	vmax.bf16 v17, v0;
	v27 =	vsub.bf16 v23, v27;
	v20 =	vld [tilespmem:s18+$0xB0]  }
0x184: {  	v21 =	vadd.f32 v16, v21;
	v16 =	vadd.s32 $0x6, v28;
	v26 =	vmul.bf16 v17, v5;
	v23 =	vld [tilespmem:s16+$0xB0]  }
0x185: {  	v17 =	vshll.u32 v29, v1;
	v25 =	vld [tilespmem:s18+$0xFFFFFF00];
	v28 =	vmax.bf16 v27, v0;
	v27 =	vsub.bf16 v30, v31;
	s18 =	sadd.s32 $0x200, s18  }
0x186: {  	_ =	sdelay $0x3  }
0x187: {  	v19 =	vsub.bf16 v19, v22;
	v6 =	vsub.bf16 v25, v6  }
0x188: {  	v24 =	vadd.bf16 v26, v24;
	v22 =	vmul.bf16 v28, v2;
	v20 =	vsub.bf16 v20, v23  }
0x189: {  	v19 =	vmax.bf16 v19, v0;
	v25 =	vmax.bf16 v27, v0;
	v6 =	vmax.bf16 v6, v0  }
0x18a: {  	v19 =	vmul.bf16 v19, v4;
	v20 =	vmax.bf16 v20, v0;
	v6 =	vmul.bf16 v6, v2  }
0x18b: {  	v23 =	vmul.bf16 v25, v3;
	v20 =	vmul.bf16 v20, v5  }
0x18c: {  	v18 =	vadd.bf16 v24, v18;
	v6 =	vadd.bf16 v7, v6  }
0x18d: {  	v19 =	vadd.bf16 v20, v19;
	v7 =	vadd.bf16 v23, v22  }
0x18e: {  	v6 =	vadd.bf16 v8, v6  }
0x18f: {  	v8 =	vunpack.i.u.bf16.f32 v18;
	v18 =	vunpack.i.l.bf16.f32 v18;
	v7 =	vadd.bf16 v19, v7  }
0x190: {  	v8 =	vadd.f32 v18, v8;
	v18 =	vunpack.i.u.bf16.f32 v6;
	v6 =	vunpack.i.l.bf16.f32 v6  }
0x191: {  	(xrf2) =	vadd.scan.msk.f32 $0xffff, v21;
	v19 =	vunpack.i.u.bf16.f32 v7;
	v7 =	vunpack.i.l.bf16.f32 v7;
	v6 =	vadd.f32 v6, v18  }
0x192: {  	(xrf2) =	vadd.scan.msk.f32 $0xffff, v8;
	v7 =	vadd.f32 v7, v19  }
0x193: {  	v8 =	vbroadcast v13, $0x0;
	(xrf2) =	vadd.scan.msk.f32 $0xffff, v6  }
0x194: {  	v6 =	vbroadcast v12, $0x0;
	(xrf2) =	vadd.scan.msk.f32 $0xffff, v7  }
0x195: {  	v7 =	vbroadcast v14, $0x0  }
0x196: {  	v12 =	vbroadcast v15, $0x0  }
0x197: {  	v11 =	vbroadcast v11, $0x0  }
0x198: {  	v13 =	vbroadcast v17, $0x0  }
0x199: {  	[tilespmem:v8+s26+$0x0] =	vst.idx.msk vm0, v9;
	v8 =	vbroadcast v16, $0x0  }
0x19a: {  	v9, _, _ =	vpop (xrf2);
	[tilespmem:v6+s26+$0x0] =	vst.idx.msk vm0, v10  }
0x19b: {  	v6, _, _ =	vpop (xrf2);
	[tilespmem:v7+s26+$0x0] =	vst.idx.msk vm0, v9  }
0x19c: {  	[tilespmem:v12+s26+$0x0] =	vst.idx.msk vm0, v6;
	v6, _, _ =	vpop (xrf2)  }
0x19d: {  	[tilespmem:v11+s26+$0x0] =	vst.idx.msk vm0, v6;
	v6, _, _ =	vpop (xrf2)  }
0x19e: {  	[tilespmem:v13+s26+$0x0] =	vst.idx.msk vm0, v6;
	v6, _, _ =	vpop (xrf2)  }
0x19f: {  	s4 =	sadd.s32 @!p0 $0x280, s15;
	s5 =	simm.s32 @!p0 $0x80;
	s6 =	simm.s32 @!p0 $0x7000;
	[tilespmem:v8+s26+$0x0] =	vst.idx.msk vm0, v6  }
0x1a0: {  	[tilespmem:s6], [sflag:$0x2] =	stream.indirect.gather @!p0 [hbm4b:s3+s5], $0x40, s4, s5, $0xb8;
	[tilespmem:$0x17840] =	vst v63  }
0x1a1: {  	s4 =	sadd.s32 @!p0 $0x2A80, s15;
	s6 =	simm.s32 @!p0 $0xF000  }
0x1a2: {  	[tilespmem:s6], [sflag:$0x6] =	stream.indirect.gather @!p0 [hbm4b:s3+s5], $0x40, s4, s5, $0xb8;
	[tilespmem:$0x17840] =	vst v63  }
0x1a3: {  	_ =	swait.ge [sflag:s30], $0x2000  }
0x1a4: {  	[sflag:s30] =	ssyncset.done $0x0  }
0x1a5: {  	[sflag:s30] =	ssyncadd.s32 $0xFFFFE000  }
0x1a6: {  	_ =	swait.ge [sflag:s31], $0x2000  }
0x1a7: {  	[sflag:s31] =	ssyncset.done $0x0  }
0x1a8: {  	s18 =	simm.s32 $0x9100;
	[sflag:s31] =	ssyncadd.s32 $0xFFFFE000  }
0x1a9: {  	s16 =	simm.s32 $0x11100;
	v7 =	vld [tilespmem:s18+$0xC0]  }
0x1aa: {  	v8 =	vld [tilespmem:s16+$0xC0]  }
0x1ab: {  	v9 =	vld [tilespmem:s18+$0xD0]  }
0x1ac: {  	v10 =	vld [tilespmem:s16+$0xD0]  }
0x1ad: {  	v11 =	vld [tilespmem:s18+$0xE0]  }
0x1ae: {  	v12 =	vld [tilespmem:s16+$0xE0]  }
0x1af: {  	v13 =	vld [tilespmem:s18+$0xF0]  }
0x1b0: {  	v14 =	vld [tilespmem:s16+$0xF0]  }
0x1b1: {  	v15 =	vld [tilespmem:s18+$0xFFFFFF10]  }
0x1b2: {  	v16 =	vld [tilespmem:s16+$0xFFFFFF10]  }
0x1b3: {  	v17 =	vld [tilespmem:s18+$0xFFFFFF40]  }
0x1b4: {  	v18 =	vld [tilespmem:s16+$0xFFFFFF40];
	v7 =	vsub.bf16 v7, v8;
	v9 =	vsub.bf16 v9, v10  }
0x1b5: {  	v8 =	vld [tilespmem:s18+$0xFFFFFF20];
	v10 =	vsub.bf16 v11, v12;
	v12 =	vsub.bf16 v13, v14  }
0x1b6: {  	v11 =	vld [tilespmem:s16+$0xFFFFFF20]  }
0x1b7: {  	v13 =	vld [tilespmem:s18+$0xFFFFFF30];
	v10 =	vmax.bf16 v10, v0;
	v12 =	vmax.bf16 v12, v0  }
0x1b8: {  	v14 =	vld [tilespmem:s16+$0xFFFFFF30];
	v10 =	vmul.bf16 v10, v4;
	v12 =	vmul.bf16 v12, v5  }
0x1b9: {  	v15 =	vsub.bf16 v15, v16;
	v16 =	vld [tilespmem:s18+$0xFFFFFF50];
	v7 =	vmax.bf16 v7, v0;
	v9 =	vmax.bf16 v9, v0  }
0x1ba: {  	v7 =	vmul.bf16 v7, v2;
	v9 =	vmul.bf16 v9, v3;
	v10 =	vadd.bf16 v12, v10;
	v12 =	vld [tilespmem:s16+$0xFFFFFF50]  }
0x1bb: {  	v8 =	vsub.bf16 v8, v11;
	v11 =	vld [tilespmem:s18+$0xFFFFFF60]  }
0x1bc: {  	v9 =	vadd.bf16 v9, v7;
	v7 =	vmax.bf16 v15, v0;
	v15 =	vld [tilespmem:s18+$0xFFFFFF70]  }
0x1bd: {  	v13 =	vsub.bf16 v13, v14;
	v14 =	vsub.bf16 v17, v18;
	v18 =	vld [tilespmem:s16+$0xFFFFFF70]  }
0x1be: {  	v9 =	vadd.bf16 v10, v9;
	v10 =	vld [tilespmem:s16+$0xFFFFFF60]  }
0x1bf: {  	v20 =	vld [tilespmem:s16+$0xFFFFFFA0];
	v8 =	vmax.bf16 v8, v0;
	v13 =	vmax.bf16 v13, v0;
	v14 =	vmax.bf16 v14, v0  }
0x1c0: {  	v17 =	vunpack.i.u.bf16.f32 v9;
	v9 =	vunpack.i.l.bf16.f32 v9;
	v12 =	vsub.bf16 v16, v12;
	v16 =	vld [tilespmem:s18+$0xFFFFFF80]  }
0x1c1: {  	v17 =	vadd.f32 v9, v17;
	v9 =	vmul.bf16 v13, v5;
	v13 =	vmul.bf16 v14, v2;
	v14 =	vld [tilespmem:s16+$0xFFFFFF80]  }
0x1c2: {  	v8 =	vmul.bf16 v8, v4;
	v15 =	vsub.bf16 v15, v18;
	v18 =	vld [tilespmem:s18+$0xFFFFFFA0]  }
0x1c3: {  	v12 =	vmax.bf16 v12, v0;
	v10 =	vsub.bf16 v11, v10;
	v11 =	vld [tilespmem:s18+$0xFFFFFF90]  }
0x1c4: {  	v8 =	vadd.bf16 v9, v8;
	v9 =	vmul.bf16 v12, v3;
	v12 =	vld [tilespmem:s16+$0xFFFFFF90]  }
0x1c5: {  	v21 =	vld [tilespmem:s16+$0xFFFFFFB0];
	v15 =	vmax.bf16 v15, v0;
	v10 =	vmax.bf16 v10, v0  }
0x1c6: {  	v15 =	vmul.bf16 v15, v5;
	v10 =	vmul.bf16 v10, v4;
	v14 =	vsub.bf16 v16, v14;
	v16 =	vld [tilespmem:s18+$0xFFFFFFB0]  }
0x1c7: {  	v13 =	vadd.bf16 v9, v13  }
0x1c8: {  	v18 =	vsub.bf16 v18, v20;
	v20 =	vld [tilespmem:s18+$0xFFFFFFD0];
	v10 =	vadd.bf16 v15, v10  }
0x1c9: {  	v15 =	vld [tilespmem:s16+$0xFFFFFFC0];
	v11 =	vsub.bf16 v11, v12  }
0x1ca: {  	v14 =	vmax.bf16 v14, v0;
	v12 =	vld [tilespmem:s18+$0xFFFFFFC0];
	v10 =	vadd.bf16 v10, v13  }
0x1cb: {  	v14 =	vmul.bf16 v14, v2;
	v13 =	vld [tilespmem:s16+$0xFFFFFFD0];
	v11 =	vmax.bf16 v11, v0;
	v16 =	vsub.bf16 v16, v21  }
0x1cc: {  	v21 =	vld [tilespmem:s18+$0xFFFFFFE0];
	v11 =	vmul.bf16 v11, v3;
	v27 =	vunpack.i.u.bf16.f32 v10;
	v10 =	vunpack.i.l.bf16.f32 v10  }
0x1cd: {  	s17 =	sadd.s32 $0xFFFFFFF8, s13;
	v18 =	vmax.bf16 v18, v0;
	v16 =	vmax.bf16 v16, v0;
	v10 =	vadd.f32 v10, v27;
	v27 =	vld [tilespmem:s16+$0xFFFFFFF0]  }
0x1ce: {  	s7 =	sadd.s32 $0x10B, s17;
	v18 =	vmul.bf16 v18, v4;
	v11 =	vadd.bf16 v11, v14;
	v14 =	vld [tilespmem:s16+$0xFFFFFFE0];
	v16 =	vmul.bf16 v16, v5  }
0x1cf: {  	v23 =	vmov s7;
	v12 =	vsub.bf16 v12, v15;
	v15 =	vld [tilespmem:s18+$0xFFFFFFF0]  }
0x1d0: {  	s11 =	sadd.s32 $0x10C, s17;
	s20 =	sadd.s32 $0x10E, s17;
	v13 =	vsub.bf16 v20, v13;
	v20 =	vshrl.u32 v23, $0x3;
	v23 =	vld [tilespmem:s18+$0x0];
	v16 =	vadd.bf16 v16, v18  }
0x1d1: {  	v24 =	vmov s11;
	v26 =	vmov s20;
	v18 =	vld [tilespmem:s16+$0x0]  }
0x1d2: {  	v12 =	vmax.bf16 v12, v0;
	v13 =	vmax.bf16 v13, v0;
	v11 =	vadd.bf16 v16, v11;
	v16 =	vld [tilespmem:s16+$0x10]  }
0x1d3: {  	v12 =	vmul.bf16 v12, v2;
	v13 =	vmul.bf16 v13, v3;
	v14 =	vsub.bf16 v21, v14;
	v21 =	vld [tilespmem:s18+$0x10]  }
0x1d4: {  	v24 =	vshrl.u32 v24, $0x3;
	v26 =	vshrl.u32 v26, $0x3;
	v15 =	vsub.bf16 v15, v27;
	v27 =	vld [tilespmem:s18+$0x20]  }
0x1d5: {  	v24 =	vshll.u32 v24, v1;
	v29 =	vunpack.i.u.bf16.f32 v11;
	v12 =	vadd.bf16 v13, v12;
	v13 =	vld [tilespmem:s16+$0x20]  }
0x1d6: {  	v11 =	vunpack.i.l.bf16.f32 v11;
	v14 =	vmax.bf16 v14, v0;
	v15 =	vmax.bf16 v15, v0  }
0x1d7: {  	s21 =	sadd.s32 $0x10F, s17;
	v18 =	vsub.bf16 v23, v18;
	v23 =	vld [tilespmem:s18+$0x30];
	v14 =	vmul.bf16 v14, v4;
	v15 =	vmul.bf16 v15, v5  }
0x1d8: {  	s19 =	sadd.s32 $0x10D, s17;
	v19 =	vmov s21;
	v11 =	vadd.f32 v11, v29;
	v29 =	vld [tilespmem:s16+$0x30];
	v16 =	vsub.bf16 v21, v16  }
0x1d9: {  	v25 =	vmov s19;
	v19 =	vshrl.u32 v19, $0x3;
	v21 =	vld [tilespmem:s18+$0x40];
	v14 =	vadd.bf16 v15, v14  }
0x1da: {  	v19 =	vshll.u32 v19, v1;
	s6 =	sadd.s32 $0x10A, s17;
	v13 =	vsub.bf16 v27, v13;
	v27 =	vld [tilespmem:s18+$0x50];
	v16 =	vmax.bf16 v16, v0  }
0x1db: {  	s5 =	sadd.s32 $0x109, s17;
	v22 =	vmov s6;
	v12 =	vadd.bf16 v14, v12;
	v14 =	vmul.bf16 v16, v3;
	v16 =	vld [tilespmem:s16+$0x50]  }
0x1dc: {  	v9 =	vadd.s32 $0x7, v19;
	v19 =	vmov s5;
	v15 =	vshll.u32 v20, v1;
	v20 =	vld [tilespmem:s16+$0x40]  }
0x1dd: {  	v22 =	vshrl.u32 v22, $0x3;
	(xrf2) =	vadd.scan.msk.f32 $0xffff, v17;
	v19 =	vshrl.u32 v19, $0x3;
	v18 =	vmax.bf16 v18, v0  }
0x1de: {  	v30 =	vld [tilespmem:s16+$0x60];
	v19 =	vshll.u32 v19, v1;
	v18 =	vmul.bf16 v18, v2;
	v17 =	vsub.bf16 v23, v29  }
0x1df: {  	(xrf2) =	vadd.scan.msk.f32 $0xffff, v10;
	v23 =	vld [tilespmem:s18+$0x60];
	v29 =	vshll.u32 v26, v1;
	v13 =	vmax.bf16 v13, v0;
	v10 =	vunpack.i.u.bf16.f32 v12  }
0x1e0: {  	(xrf2) =	vadd.scan.msk.f32 $0xffff, v11;
	v26 =	vmul.bf16 v13, v4;
	v11 =	vunpack.i.l.bf16.f32 v12;
	v16 =	vsub.bf16 v27, v16  }
0x1e1: {  	v12 =	vmax.bf16 v17, v0;
	v18 =	vadd.bf16 v14, v18;
	v14 =	vsub.bf16 v21, v20  }
0x1e2: {  	v10 =	vadd.f32 v11, v10;
	v11 =	vmul.bf16 v12, v5;
	v16 =	vmax.bf16 v16, v0  }
0x1e3: {  	v22 =	vshll.u32 v22, v1;
	v6 =	vld [tilespmem:s16+$0xFFFFFF00];
	v13 =	vadd.s32 $0x1, v19;
	v16 =	vmul.bf16 v16, v3  }
0x1e4: {  	v17 =	vld [tilespmem:s18+$0x70];
	v14 =	vmax.bf16 v14, v0;
	v11 =	vadd.bf16 v11, v26;
	v19 =	vsub.bf16 v23, v30  }
0x1e5: {  	v9 =	vbroadcast v9, $0x0;
	v20 =	vld [tilespmem:s16+$0x70];
	v12 =	vadd.s32 $0x2, v22;
	v22 =	vmul.bf16 v14, v2  }
0x1e6: {  	v21 =	vld [tilespmem:s18+$0x80];
	v14 =	vadd.s32 $0x3, v15;
	v23 =	vadd.bf16 v11, v18;
	v18 =	vmax.bf16 v19, v0  }
0x1e7: {  	v26 =	vld [tilespmem:s16+$0x80];
	v15 =	vadd.s32 $0x4, v24;
	v24 =	vmul.bf16 v18, v4;
	v18 =	vadd.bf16 v16, v22;
	v16, _, _ =	vpop (xrf2);
	(xrf2) =	vadd.scan.msk.f32 $0xffff, v10  }
0x1e8: {  	v25 =	vshrl.u32 v25, $0x3;
	s21 =	sadd.s32 $0x108, s17;
	v30 =	vld [tilespmem:s16+$0x90]  }
0x1e9: {  	v25 =	vshll.u32 v25, v1;
	v28 =	vmov s21;
	v27 =	vld [tilespmem:s18+$0x90]  }
0x1ea: {  	v28 =	vshrl.u32 v28, $0x3;
	v7 =	vmul.bf16 v7, v3;
	v19 =	vld [tilespmem:s18+$0xA0];
	v17 =	vsub.bf16 v17, v20  }
0x1eb: {  	v11 =	vadd.s32 $0x5, v25;
	v25 =	vunpack.i.u.bf16.f32 v23;
	v23 =	vunpack.i.l.bf16.f32 v23;
	v22 =	vld [tilespmem:s16+$0xA0]  }
0x1ec: {  	v20 =	vld [tilespmem:s18+$0xB0];
	v17 =	vmax.bf16 v17, v0;
	v31 =	vsub.bf16 v21, v26;
	v21 =	vadd.f32 v23, v25  }
0x1ed: {  	v23 =	vld [tilespmem:s16+$0xB0];
	v26 =	vmul.bf16 v17, v5;
	v17 =	vshll.u32 v28, v1;
	[tilespmem:v9+s26+$0x0] =	vst.idx.msk vm0, v16;
	v9, _, _ =	vpop (xrf2)  }
0x1ee: {  	s17 =	simm.s32 $0x0;
	v25 =	vld [tilespmem:s18+$0xFFFFFF00];
	s18 =	simm.s32 $0x9300;
	v27 =	vsub.bf16 v27, v30;
	v28 =	vmax.bf16 v31, v0;
	v16 =	vadd.s32 $0x6, v29;
	v10, _, _ =	vpop (xrf2)  }
.LBB2_9:
0x1ef: {  	v29 =	vld [tilespmem:s18+$0xC0];
	v13 =	vbroadcast v13, $0x0;
	v24 =	vadd.bf16 v26, v24;
	v26 =	vmul.bf16 v28, v2;
	s16 =	sadd.s32 $0x200, s16;
	(xrf2) =	vadd.scan.msk.f32 $0xffff, v21;
	s19 =	smov.u32 s17  }
0x1f0: {  	v12 =	vbroadcast v12, $0x0;
	v21 =	vld [tilespmem:s16+$0xC0];
	v28 =	vmax.bf16 v27, v0;
	v19 =	vsub.bf16 v19, v22  }
0x1f1: {  	v14 =	vbroadcast v14, $0x0;
	v22 =	vld [tilespmem:s18+$0xD0];
	v18 =	vadd.bf16 v24, v18;
	v24 =	vmul.bf16 v28, v3;
	v27, _, _ =	vpop (xrf2)  }
0x1f2: {  	v15 =	vbroadcast v15, $0x0;
	v28 =	vld [tilespmem:s16+$0xD0];
	v19 =	vmax.bf16 v19, v0;
	v20 =	vsub.bf16 v20, v23  }
0x1f3: {  	v23 =	vld [tilespmem:s18+$0xE0];
	v6 =	vsub.bf16 v25, v6;
	v19 =	vmul.bf16 v19, v4;
	v24 =	vadd.bf16 v24, v26  }
0x1f4: {  	v26 =	vunpack.i.u.bf16.f32 v18;
	v18 =	vunpack.i.l.bf16.f32 v18;
	v25 =	vld [tilespmem:s16+$0xE0];
	v20 =	vmax.bf16 v20, v0  }
0x1f5: {  	v18 =	vadd.f32 v18, v26;
	v30 =	vld [tilespmem:s18+$0xF0];
	v6 =	vmax.bf16 v6, v0;
	v20 =	vmul.bf16 v20, v5  }
0x1f6: {  	s17 =	sadd.s32 $0x8, s17;
	v26 =	vld [tilespmem:s16+$0xF0];
	v31 =	vmul.bf16 v6, v2;
	[tilespmem:v13+s26+$0x0] =	vst.idx.msk vm0, v9;
	v13 =	vbroadcast v11, $0x0  }
0x1f7: {  	p1 =	slt.u32 s17, $0x78;
	v11 =	vbroadcast v17, $0x0;
	v9 =	vbroadcast v16, $0x0;
	v6 =	vld [tilespmem:s16+$0xFFFFFF00];
	v19 =	vadd.bf16 v20, v19;
	(xrf2) =	vadd.scan.msk.f32 $0xffff, v18  }
0x1f8: {  	v16 =	vld [tilespmem:s18+$0xFFFFFF10];
	v7 =	vadd.bf16 v7, v31;
	[tilespmem:v12+s26+$0x0] =	vst.idx.msk vm0, v10  }
0x1f9: {  	v12 =	vsub.bf16 v29, v21;
	v10 =	vld [tilespmem:s16+$0xFFFFFF10];
	[tilespmem:v14+s26+$0x0] =	vst.idx.msk vm0, v27;
	v14 =	vadd.bf16 v19, v24;
	v17, _, _ =	vpop (xrf2)  }
0x1fa: {  	v19 =	vsub.bf16 v22, v28;
	v20 =	vsub.bf16 v23, v25;
	v18 =	vld [tilespmem:s18+$0xFFFFFF20];
	[tilespmem:v15+s26+$0x0] =	vst.idx.msk vm0, v17  }
0x1fb: {  	v7 =	vadd.bf16 v8, v7;
	v15 =	vld [tilespmem:s16+$0xFFFFFF20];
	v17 =	vsub.bf16 v30, v26;
	v8 =	vunpack.i.u.bf16.f32 v14  }
0x1fc: {  	v12 =	vmax.bf16 v12, v0;
	v19 =	vmax.bf16 v19, v0;
	v20 =	vmax.bf16 v20, v0;
	v21 =	vld [tilespmem:s18+$0xFFFFFF30]  }
0x1fd: {  	v12 =	vmul.bf16 v12, v2;
	v19 =	vmul.bf16 v19, v3;
	v22 =	vld [tilespmem:s16+$0xFFFFFF30];
	v17 =	vmax.bf16 v17, v0  }
0x1fe: {  	v26 =	vmul.bf16 v20, v4;
	v10 =	vsub.bf16 v16, v10;
	v16 =	vld [tilespmem:s18+$0xFFFFFF40];
	v17 =	vmul.bf16 v17, v5  }
0x1ff: {  	v14 =	vunpack.i.l.bf16.f32 v14;
	v24 =	vunpack.i.u.bf16.f32 v7;
	v25 =	vunpack.i.l.bf16.f32 v7;
	v23 =	vld [tilespmem:s16+$0xFFFFFF40]  }
0x200: {  	v12 =	vadd.bf16 v19, v12;
	v7 =	vmax.bf16 v10, v0;
	v10 =	vld [tilespmem:s18+$0xFFFFFF50];
	v17 =	vadd.bf16 v17, v26  }
0x201: {  	v19 =	vadd.f32 v25, v24;
	v15 =	vsub.bf16 v18, v15;
	v7 =	vmul.bf16 v7, v3;
	v18 =	vld [tilespmem:s16+$0xFFFFFF50];
	v20, _, _ =	vpop (xrf2)  }
0x202: {  	v21 =	vsub.bf16 v21, v22;
	v22 =	vld [tilespmem:s18+$0xFFFFFF60];
	v12 =	vadd.bf16 v17, v12;
	[tilespmem:v13+s26+$0x0] =	vst.idx.msk vm0, v20  }
0x203: {  	v14 =	vadd.f32 v14, v8;
	v13 =	vmax.bf16 v15, v0;
	v15 =	vld [tilespmem:s16+$0xFFFFFF60];
	(xrf2) =	vadd.scan.msk.f32 $0xffff, v19  }
0x204: {  	v8 =	vsub.bf16 v16, v23;
	v16 =	vld [tilespmem:s18+$0xFFFFFF70];
	v17 =	vunpack.i.u.bf16.f32 v12;
	v12 =	vunpack.i.l.bf16.f32 v12  }
0x205: {  	v13 =	vmul.bf16 v13, v4;
	v19 =	vmax.bf16 v21, v0;
	v20 =	vld [tilespmem:s16+$0xFFFFFF70];
	v12 =	vadd.f32 v12, v17  }
0x206: {  	s4 =	sadd.s32 s19, s13;
	v17 =	vmul.bf16 v19, v5;
	v8 =	vmax.bf16 v8, v0;
	v10 =	vsub.bf16 v10, v18;
	v18 =	vld [tilespmem:s18+$0xFFFFFF80]  }
0x207: {  	s5 =	sadd.s32 $0x109, s4;
	s6 =	sadd.s32 $0x10A, s4;
	s7 =	sadd.s32 $0x10F, s4;
	v19 =	vmul.bf16 v8, v2;
	v21 =	vld [tilespmem:s16+$0xFFFFFF80];
	(xrf2) =	vadd.scan.msk.f32 $0xffff, v12  }
0x208: {  	s11 =	sadd.s32 $0x10B, s4;
	s20 =	sadd.s32 $0x10C, s4;
	s21 =	sadd.s32 $0x10D, s4;
	v10 =	vmax.bf16 v10, v0;
	v12 =	vsub.bf16 v22, v15;
	v15 =	vld [tilespmem:s18+$0xFFFFFF90];
	v22 =	vmov s7  }
0x209: {  	s19 =	sadd.s32 $0x108, s4;
	s4 =	sadd.s32 $0x10E, s4;
	v8 =	vadd.bf16 v17, v13;
	v10 =	vmul.bf16 v10, v3;
	v13 =	vld [tilespmem:s16+$0xFFFFFF90];
	v17 =	vshrl.u32 v22, $0x3  }
0x20a: {  	v12 =	vmax.bf16 v12, v0;
	v16 =	vsub.bf16 v16, v20;
	v20 =	vld [tilespmem:s18+$0xFFFFFFA0];
	v17 =	vshll.u32 v17, v1;
	(xrf2) =	vadd.scan.msk.f32 $0xffff, v14  }
0x20b: {  	v12 =	vmul.bf16 v12, v4;
	v10 =	vadd.bf16 v10, v19;
	v14 =	vld [tilespmem:s16+$0xFFFFFFA0];
	v17 =	vadd.s32 $0x7, v17  }
0x20c: {  	v16 =	vmax.bf16 v16, v0;
	v18 =	vsub.bf16 v18, v21;
	v19 =	vld [tilespmem:s18+$0xFFFFFFB0];
	v17 =	vbroadcast v17, $0x0  }
0x20d: {  	v23 =	vmov s6;
	v21 =	vmov s5;
	v16 =	vmul.bf16 v16, v5;
	v22 =	vld [tilespmem:s16+$0xFFFFFFB0];
	v24, _, _ =	vpop (xrf2)  }
0x20e: {  	v25 =	vmov s11;
	v18 =	vmax.bf16 v18, v0;
	v13 =	vsub.bf16 v15, v13;
	v15 =	vld [tilespmem:s18+$0xFFFFFFC0];
	[tilespmem:v11+s26+$0x0] =	vst.idx.msk vm0, v24  }
0x20f: {  	v11 =	vadd.bf16 v16, v12;
	v12 =	vmul.bf16 v18, v2;
	v16 =	vld [tilespmem:s16+$0xFFFFFFC0];
	v18 =	vmov s20  }
0x210: {  	v24 =	vmov s21;
	v13 =	vmax.bf16 v13, v0;
	v14 =	vsub.bf16 v20, v14;
	v20 =	vld [tilespmem:s18+$0xFFFFFFD0]  }
0x211: {  	v26 =	vmov s4;
	v10 =	vadd.bf16 v11, v10;
	v11 =	vmul.bf16 v13, v3;
	v13 =	vld [tilespmem:s16+$0xFFFFFFD0];
	v27, _, _ =	vpop (xrf2)  }
0x212: {  	v21 =	vshrl.u32 v21, $0x3;
	v14 =	vmax.bf16 v14, v0;
	v19 =	vsub.bf16 v19, v22;
	v22 =	vld [tilespmem:s18+$0xFFFFFFE0];
	[tilespmem:v17+s26+$0x0] =	vst.idx.msk vm0, v27  }
0x213: {  	v17 =	vunpack.i.u.bf16.f32 v10;
	v14 =	vmul.bf16 v14, v4;
	v11 =	vadd.bf16 v11, v12;
	v12 =	vld [tilespmem:s16+$0xFFFFFFE0]  }
0x214: {  	v10 =	vunpack.i.l.bf16.f32 v10;
	v19 =	vmax.bf16 v19, v0;
	v15 =	vsub.bf16 v15, v16;
	v16 =	vld [tilespmem:s18+$0xFFFFFFF0];
	v27, _, _ =	vpop (xrf2)  }
0x215: {  	v10 =	vadd.f32 v10, v17;
	v17 =	vmul.bf16 v19, v5;
	v19 =	vshrl.u32 v23, $0x3;
	v23 =	vld [tilespmem:s16+$0xFFFFFFF0];
	[tilespmem:v9+s26+$0x0] =	vst.idx.msk vm0, v27  }
0x216: {  	v9 =	vmax.bf16 v15, v0;
	v13 =	vsub.bf16 v20, v13;
	v15 =	vshrl.u32 v25, $0x3;
	v20 =	vld [tilespmem:s18+$0x0]  }
0x217: {  	v18 =	vshrl.u32 v18, $0x3;
	v14 =	vadd.bf16 v17, v14;
	v9 =	vmul.bf16 v9, v2;
	v17 =	vld [tilespmem:s16+$0x0];
	(xrf2) =	vadd.scan.msk.f32 $0xffff, v10  }
0x218: {  	v10 =	vmax.bf16 v13, v0;
	v12 =	vsub.bf16 v22, v12;
	v13 =	vld [tilespmem:s18+$0x10];
	v22 =	vshrl.u32 v24, $0x3  }
0x219: {  	v24 =	vshrl.u32 v26, $0x3;
	v11 =	vadd.bf16 v14, v11;
	v10 =	vmul.bf16 v10, v3;
	v14 =	vld [tilespmem:s16+$0x10]  }
0x21a: {  	v25 =	vmov s19;
	v12 =	vmax.bf16 v12, v0;
	v16 =	vsub.bf16 v16, v23;
	v23 =	vld [tilespmem:s18+$0x20]  }
0x21b: {  	v26 =	vunpack.i.u.bf16.f32 v11;
	v12 =	vmul.bf16 v12, v4;
	v9 =	vadd.bf16 v10, v9;
	v10 =	vld [tilespmem:s16+$0x20]  }
0x21c: {  	v11 =	vunpack.i.l.bf16.f32 v11;
	v16 =	vmax.bf16 v16, v0;
	v17 =	vsub.bf16 v20, v17;
	v20 =	vld [tilespmem:s18+$0x30]  }
0x21d: {  	v21 =	vshll.u32 v21, v1;
	v11 =	vadd.f32 v11, v26;
	v16 =	vmul.bf16 v16, v5;
	v26 =	vld [tilespmem:s16+$0x30]  }
0x21e: {  	v19 =	vshll.u32 v19, v1;
	v17 =	vmax.bf16 v17, v0;
	v13 =	vsub.bf16 v13, v14;
	v14 =	vld [tilespmem:s18+$0x40]  }
0x21f: {  	v15 =	vshll.u32 v15, v1;
	v12 =	vadd.bf16 v16, v12;
	v16 =	vmul.bf16 v17, v2;
	v17 =	vld [tilespmem:s16+$0x40];
	(xrf2) =	vadd.scan.msk.f32 $0xffff, v11  }
0x220: {  	v18 =	vshll.u32 v18, v1;
	v11 =	vmax.bf16 v13, v0;
	v10 =	vsub.bf16 v23, v10;
	v23 =	vld [tilespmem:s18+$0x50]  }
0x221: {  	v22 =	vshll.u32 v22, v1;
	v12 =	vadd.bf16 v12, v9;
	v11 =	vmul.bf16 v11, v3;
	v27 =	vld [tilespmem:s16+$0x50];
	v9, _, _ =	vpop (xrf2)  }
0x222: {  	v28 =	vshll.u32 v24, v1;
	v10 =	vmax.bf16 v10, v0;
	v13 =	vsub.bf16 v20, v26;
	v20 =	vld [tilespmem:s18+$0x60]  }
0x223: {  	v24 =	vunpack.i.u.bf16.f32 v12;
	v10 =	vmul.bf16 v10, v4;
	v11 =	vadd.bf16 v11, v16;
	v16 =	vld [tilespmem:s16+$0x60]  }
0x224: {  	v12 =	vunpack.i.l.bf16.f32 v12;
	v13 =	vmax.bf16 v13, v0;
	v14 =	vsub.bf16 v14, v17;
	v17 =	vld [tilespmem:s18+$0x70]  }
0x225: {  	v29 =	vshrl.u32 v25, $0x3;
	v24 =	vadd.f32 v12, v24;
	v25 =	vmul.bf16 v13, v5;
	v26 =	vld [tilespmem:s16+$0x70]  }
0x226: {  	v13 =	vadd.s32 $0x1, v21;
	v14 =	vmax.bf16 v14, v0;
	v21 =	vsub.bf16 v23, v27;
	v23 =	vld [tilespmem:s18+$0x80]  }
0x227: {  	v12 =	vadd.s32 $0x2, v19;
	v32 =	vadd.bf16 v25, v10;
	v25 =	vmul.bf16 v14, v2;
	v27 =	vld [tilespmem:s16+$0x80];
	(xrf2) =	vadd.scan.msk.f32 $0xffff, v24  }
0x228: {  	v14 =	vadd.s32 $0x3, v15;
	v19 =	vmax.bf16 v21, v0;
	v16 =	vsub.bf16 v20, v16;
	v30 =	vld [tilespmem:s18+$0x90]  }
0x229: {  	v15 =	vadd.s32 $0x4, v18;
	v20 =	vadd.bf16 v32, v11;
	v18 =	vmul.bf16 v19, v3;
	v31 =	vld [tilespmem:s16+$0x90];
	v10, _, _ =	vpop (xrf2)  }
.Ltmp3:
0x22a: {  	v11 =	vadd.s32 $0x5, v22;
	v16 =	vmax.bf16 v16, v0;
	v17 =	vsub.bf16 v17, v26;
	v19 =	vld [tilespmem:s18+$0xA0];
	(pc) =	sbr.rel @p1 .LBB2_9-.Ltmp3, $4  }
0x22b: {  	v21 =	vunpack.i.u.bf16.f32 v20;
	v24 =	vmul.bf16 v16, v4;
	v18 =	vadd.bf16 v18, v25;
	v22 =	vld [tilespmem:s16+$0xA0]  }
0x22c: {  	v16 =	vunpack.i.l.bf16.f32 v20;
	v17 =	vmax.bf16 v17, v0;
	v27 =	vsub.bf16 v23, v27;
	v20 =	vld [tilespmem:s18+$0xB0]  }
0x22d: {  	v21 =	vadd.f32 v16, v21;
	v16 =	vadd.s32 $0x6, v28;
	v26 =	vmul.bf16 v17, v5;
	v23 =	vld [tilespmem:s16+$0xB0]  }
0x22e: {  	v17 =	vshll.u32 v29, v1;
	v25 =	vld [tilespmem:s18+$0xFFFFFF00];
	v28 =	vmax.bf16 v27, v0;
	v27 =	vsub.bf16 v30, v31;
	s18 =	sadd.s32 $0x200, s18  }
0x22f: {  	_ =	sdelay $0x3  }
0x230: {  	v19 =	vsub.bf16 v19, v22;
	v6 =	vsub.bf16 v25, v6  }
0x231: {  	v24 =	vadd.bf16 v26, v24;
	v22 =	vmul.bf16 v28, v2;
	v20 =	vsub.bf16 v20, v23  }
0x232: {  	v19 =	vmax.bf16 v19, v0;
	v25 =	vmax.bf16 v27, v0;
	v6 =	vmax.bf16 v6, v0  }
0x233: {  	v19 =	vmul.bf16 v19, v4;
	v20 =	vmax.bf16 v20, v0;
	v6 =	vmul.bf16 v6, v2  }
0x234: {  	v23 =	vmul.bf16 v25, v3;
	v20 =	vmul.bf16 v20, v5  }
0x235: {  	v18 =	vadd.bf16 v24, v18;
	v6 =	vadd.bf16 v7, v6  }
0x236: {  	v19 =	vadd.bf16 v20, v19;
	v7 =	vadd.bf16 v23, v22  }
0x237: {  	v6 =	vadd.bf16 v8, v6  }
0x238: {  	v8 =	vunpack.i.u.bf16.f32 v18;
	v18 =	vunpack.i.l.bf16.f32 v18;
	v7 =	vadd.bf16 v19, v7  }
0x239: {  	v8 =	vadd.f32 v18, v8;
	v18 =	vunpack.i.u.bf16.f32 v6;
	v6 =	vunpack.i.l.bf16.f32 v6  }
0x23a: {  	(xrf2) =	vadd.scan.msk.f32 $0xffff, v21;
	v19 =	vunpack.i.u.bf16.f32 v7;
	v7 =	vunpack.i.l.bf16.f32 v7;
	v6 =	vadd.f32 v6, v18  }
0x23b: {  	(xrf2) =	vadd.scan.msk.f32 $0xffff, v8;
	v7 =	vadd.f32 v7, v19  }
0x23c: {  	v8 =	vbroadcast v13, $0x0;
	(xrf2) =	vadd.scan.msk.f32 $0xffff, v6  }
0x23d: {  	v6 =	vbroadcast v12, $0x0;
	(xrf2) =	vadd.scan.msk.f32 $0xffff, v7  }
0x23e: {  	v7 =	vbroadcast v14, $0x0  }
0x23f: {  	v12 =	vbroadcast v15, $0x0  }
0x240: {  	v11 =	vbroadcast v11, $0x0  }
0x241: {  	v13 =	vbroadcast v17, $0x0  }
0x242: {  	[tilespmem:v8+s26+$0x0] =	vst.idx.msk vm0, v9;
	v8 =	vbroadcast v16, $0x0  }
0x243: {  	v9, _, _ =	vpop (xrf2);
	[tilespmem:v6+s26+$0x0] =	vst.idx.msk vm0, v10  }
0x244: {  	v6, _, _ =	vpop (xrf2);
	[tilespmem:v7+s26+$0x0] =	vst.idx.msk vm0, v9  }
0x245: {  	[tilespmem:v12+s26+$0x0] =	vst.idx.msk vm0, v6;
	v6, _, _ =	vpop (xrf2)  }
0x246: {  	[tilespmem:v11+s26+$0x0] =	vst.idx.msk vm0, v6;
	v6, _, _ =	vpop (xrf2)  }
0x247: {  	[tilespmem:v13+s26+$0x0] =	vst.idx.msk vm0, v6;
	v6, _, _ =	vpop (xrf2)  }
0x248: {  	s4 =	sadd.s32 @!p0 $0x300, s15;
	s5 =	simm.s32 @!p0 $0x80;
	s6 =	simm.s32 @!p0 $0x9000;
	[tilespmem:v8+s26+$0x0] =	vst.idx.msk vm0, v6  }
0x249: {  	[tilespmem:s6], [sflag:$0x3] =	stream.indirect.gather @!p0 [hbm4b:s3+s5], $0x40, s4, s5, $0xb8;
	[tilespmem:$0x17840] =	vst v63  }
0x24a: {  	s4 =	sadd.s32 @!p0 $0x2B00, s15;
	s6 =	simm.s32 @!p0 $0x11000  }
0x24b: {  	[tilespmem:s6], [sflag:$0x7] =	stream.indirect.gather @!p0 [hbm4b:s3+s5], $0x40, s4, s5, $0xb8;
	[tilespmem:$0x17840] =	vst v63  }
0x24c: {  	_ =	swait.ge [sflag:s1], $0x2000  }
0x24d: {  	[sflag:s1] =	ssyncset.done $0x0  }
0x24e: {  	[sflag:s1] =	ssyncadd.s32 $0xFFFFE000  }
0x24f: {  	_ =	swait.ge [sflag:s0], $0x2000  }
0x250: {  	[sflag:s0] =	ssyncset.done $0x0  }
0x251: {  	s17 =	simm.s32 $0xB100;
	[sflag:s0] =	ssyncadd.s32 $0xFFFFE000  }
0x252: {  	s15 =	simm.s32 $0x13100;
	v7 =	vld [tilespmem:s17+$0xC0]  }
0x253: {  	v8 =	vld [tilespmem:s15+$0xC0]  }
0x254: {  	v9 =	vld [tilespmem:s17+$0xD0]  }
0x255: {  	v10 =	vld [tilespmem:s15+$0xD0]  }
0x256: {  	v11 =	vld [tilespmem:s17+$0xE0]  }
0x257: {  	v12 =	vld [tilespmem:s15+$0xE0]  }
0x258: {  	v13 =	vld [tilespmem:s17+$0xF0]  }
0x259: {  	v14 =	vld [tilespmem:s15+$0xF0]  }
0x25a: {  	v15 =	vld [tilespmem:s17+$0xFFFFFF10]  }
0x25b: {  	v16 =	vld [tilespmem:s15+$0xFFFFFF10]  }
0x25c: {  	v17 =	vld [tilespmem:s17+$0xFFFFFF40]  }
0x25d: {  	v18 =	vld [tilespmem:s15+$0xFFFFFF40];
	v7 =	vsub.bf16 v7, v8;
	v9 =	vsub.bf16 v9, v10  }
0x25e: {  	v8 =	vld [tilespmem:s17+$0xFFFFFF20];
	v10 =	vsub.bf16 v11, v12;
	v12 =	vsub.bf16 v13, v14  }
0x25f: {  	v11 =	vld [tilespmem:s15+$0xFFFFFF20]  }
0x260: {  	v13 =	vld [tilespmem:s17+$0xFFFFFF30];
	v10 =	vmax.bf16 v10, v0;
	v12 =	vmax.bf16 v12, v0  }
0x261: {  	v14 =	vld [tilespmem:s15+$0xFFFFFF30];
	v10 =	vmul.bf16 v10, v4;
	v12 =	vmul.bf16 v12, v5  }
0x262: {  	v15 =	vsub.bf16 v15, v16;
	v16 =	vld [tilespmem:s17+$0xFFFFFF50];
	v7 =	vmax.bf16 v7, v0;
	v9 =	vmax.bf16 v9, v0  }
0x263: {  	v7 =	vmul.bf16 v7, v2;
	v9 =	vmul.bf16 v9, v3;
	v10 =	vadd.bf16 v12, v10;
	v12 =	vld [tilespmem:s15+$0xFFFFFF50]  }
0x264: {  	v8 =	vsub.bf16 v8, v11;
	v11 =	vld [tilespmem:s17+$0xFFFFFF60]  }
0x265: {  	v9 =	vadd.bf16 v9, v7;
	v7 =	vmax.bf16 v15, v0;
	v15 =	vld [tilespmem:s17+$0xFFFFFF70]  }
0x266: {  	v13 =	vsub.bf16 v13, v14;
	v14 =	vsub.bf16 v17, v18;
	v18 =	vld [tilespmem:s15+$0xFFFFFF70]  }
0x267: {  	v9 =	vadd.bf16 v10, v9;
	v10 =	vld [tilespmem:s15+$0xFFFFFF60]  }
0x268: {  	v20 =	vld [tilespmem:s15+$0xFFFFFFA0];
	v8 =	vmax.bf16 v8, v0;
	v13 =	vmax.bf16 v13, v0;
	v14 =	vmax.bf16 v14, v0  }
0x269: {  	v17 =	vunpack.i.u.bf16.f32 v9;
	v9 =	vunpack.i.l.bf16.f32 v9;
	v12 =	vsub.bf16 v16, v12;
	v16 =	vld [tilespmem:s17+$0xFFFFFF80]  }
0x26a: {  	v17 =	vadd.f32 v9, v17;
	v9 =	vmul.bf16 v13, v5;
	v13 =	vmul.bf16 v14, v2;
	v14 =	vld [tilespmem:s15+$0xFFFFFF80]  }
0x26b: {  	v8 =	vmul.bf16 v8, v4;
	v15 =	vsub.bf16 v15, v18;
	v18 =	vld [tilespmem:s17+$0xFFFFFFA0]  }
0x26c: {  	v12 =	vmax.bf16 v12, v0;
	v10 =	vsub.bf16 v11, v10;
	v11 =	vld [tilespmem:s17+$0xFFFFFF90]  }
0x26d: {  	v8 =	vadd.bf16 v9, v8;
	v9 =	vmul.bf16 v12, v3;
	v12 =	vld [tilespmem:s15+$0xFFFFFF90]  }
0x26e: {  	v21 =	vld [tilespmem:s15+$0xFFFFFFB0];
	v15 =	vmax.bf16 v15, v0;
	v10 =	vmax.bf16 v10, v0  }
0x26f: {  	v15 =	vmul.bf16 v15, v5;
	v10 =	vmul.bf16 v10, v4;
	v14 =	vsub.bf16 v16, v14;
	v16 =	vld [tilespmem:s17+$0xFFFFFFB0]  }
0x270: {  	v13 =	vadd.bf16 v9, v13  }
0x271: {  	v18 =	vsub.bf16 v18, v20;
	v20 =	vld [tilespmem:s17+$0xFFFFFFD0];
	v10 =	vadd.bf16 v15, v10  }
0x272: {  	v15 =	vld [tilespmem:s15+$0xFFFFFFC0];
	v11 =	vsub.bf16 v11, v12  }
0x273: {  	v14 =	vmax.bf16 v14, v0;
	v12 =	vld [tilespmem:s17+$0xFFFFFFC0];
	v10 =	vadd.bf16 v10, v13  }
0x274: {  	v14 =	vmul.bf16 v14, v2;
	v13 =	vld [tilespmem:s15+$0xFFFFFFD0];
	v11 =	vmax.bf16 v11, v0;
	v16 =	vsub.bf16 v16, v21  }
0x275: {  	v21 =	vld [tilespmem:s17+$0xFFFFFFE0];
	v11 =	vmul.bf16 v11, v3;
	v27 =	vunpack.i.u.bf16.f32 v10;
	v10 =	vunpack.i.l.bf16.f32 v10  }
0x276: {  	s16 =	sadd.s32 $0xFFFFFFF8, s13;
	v18 =	vmax.bf16 v18, v0;
	v16 =	vmax.bf16 v16, v0;
	v10 =	vadd.f32 v10, v27;
	v27 =	vld [tilespmem:s15+$0xFFFFFFF0]  }
0x277: {  	s11 =	sadd.s32 $0x18B, s16;
	v18 =	vmul.bf16 v18, v4;
	v11 =	vadd.bf16 v11, v14;
	v14 =	vld [tilespmem:s15+$0xFFFFFFE0];
	v16 =	vmul.bf16 v16, v5  }
0x278: {  	v23 =	vmov s11;
	v12 =	vsub.bf16 v12, v15;
	v15 =	vld [tilespmem:s17+$0xFFFFFFF0]  }
0x279: {  	s18 =	sadd.s32 $0x18C, s16;
	v13 =	vsub.bf16 v20, v13;
	v20 =	vshrl.u32 v23, $0x3;
	v23 =	vld [tilespmem:s17+$0x0];
	v16 =	vadd.bf16 v16, v18  }
0x27a: {  	v24 =	vmov s18;
	v18 =	vld [tilespmem:s15+$0x0]  }
0x27b: {  	v12 =	vmax.bf16 v12, v0;
	v13 =	vmax.bf16 v13, v0;
	v11 =	vadd.bf16 v16, v11;
	v16 =	vld [tilespmem:s15+$0x10]  }
0x27c: {  	s20 =	sadd.s32 $0x18E, s16;
	v12 =	vmul.bf16 v12, v2;
	v13 =	vmul.bf16 v13, v3;
	v14 =	vsub.bf16 v21, v14;
	v21 =	vld [tilespmem:s17+$0x10]  }
0x27d: {  	v26 =	vmov s20;
	v24 =	vshrl.u32 v24, $0x3;
	v15 =	vsub.bf16 v15, v27;
	v27 =	vld [tilespmem:s17+$0x20]  }
0x27e: {  	v26 =	vshrl.u32 v26, $0x3;
	v29 =	vunpack.i.u.bf16.f32 v11;
	v12 =	vadd.bf16 v13, v12;
	v13 =	vld [tilespmem:s15+$0x20]  }
0x27f: {  	v11 =	vunpack.i.l.bf16.f32 v11;
	v14 =	vmax.bf16 v14, v0;
	v15 =	vmax.bf16 v15, v0  }
0x280: {  	v18 =	vsub.bf16 v23, v18;
	v23 =	vld [tilespmem:s17+$0x30];
	v14 =	vmul.bf16 v14, v4;
	v15 =	vmul.bf16 v15, v5  }
0x281: {  	s7 =	sadd.s32 $0x18A, s16;
	v24 =	vshll.u32 v24, v1;
	s5 =	sadd.s32 $0x18F, s16;
	v11 =	vadd.f32 v11, v29;
	v29 =	vld [tilespmem:s15+$0x30];
	v16 =	vsub.bf16 v21, v16  }
0x282: {  	v22 =	vmov s7;
	v19 =	vmov s5;
	v21 =	vld [tilespmem:s17+$0x40];
	v14 =	vadd.bf16 v15, v14  }
0x283: {  	v19 =	vshrl.u32 v19, $0x3;
	v13 =	vsub.bf16 v27, v13;
	v27 =	vld [tilespmem:s17+$0x50];
	v16 =	vmax.bf16 v16, v0  }
0x284: {  	s6 =	sadd.s32 $0x189, s16;
	v19 =	vshll.u32 v19, v1;
	v12 =	vadd.bf16 v14, v12;
	v14 =	vmul.bf16 v16, v3;
	v16 =	vld [tilespmem:s15+$0x50]  }
0x285: {  	v9 =	vadd.s32 $0x7, v19;
	v19 =	vmov s6;
	v15 =	vshll.u32 v20, v1;
	v20 =	vld [tilespmem:s15+$0x40]  }
0x286: {  	v22 =	vshrl.u32 v22, $0x3;
	(xrf2) =	vadd.scan.msk.f32 $0xffff, v17;
	v19 =	vshrl.u32 v19, $0x3;
	v18 =	vmax.bf16 v18, v0  }
0x287: {  	v30 =	vld [tilespmem:s15+$0x60];
	v19 =	vshll.u32 v19, v1;
	v18 =	vmul.bf16 v18, v2;
	v17 =	vsub.bf16 v23, v29  }
0x288: {  	(xrf2) =	vadd.scan.msk.f32 $0xffff, v10;
	v23 =	vld [tilespmem:s17+$0x60];
	v29 =	vshll.u32 v26, v1;
	v13 =	vmax.bf16 v13, v0;
	v10 =	vunpack.i.u.bf16.f32 v12  }
0x289: {  	(xrf2) =	vadd.scan.msk.f32 $0xffff, v11;
	v26 =	vmul.bf16 v13, v4;
	v11 =	vunpack.i.l.bf16.f32 v12;
	v16 =	vsub.bf16 v27, v16  }
0x28a: {  	v12 =	vmax.bf16 v17, v0;
	v18 =	vadd.bf16 v14, v18;
	v14 =	vsub.bf16 v21, v20  }
0x28b: {  	v10 =	vadd.f32 v11, v10;
	v11 =	vmul.bf16 v12, v5;
	v16 =	vmax.bf16 v16, v0  }
0x28c: {  	v22 =	vshll.u32 v22, v1;
	v6 =	vld [tilespmem:s15+$0xFFFFFF00];
	v13 =	vadd.s32 $0x1, v19;
	v16 =	vmul.bf16 v16, v3  }
0x28d: {  	v17 =	vld [tilespmem:s17+$0x70];
	v14 =	vmax.bf16 v14, v0;
	v11 =	vadd.bf16 v11, v26;
	v19 =	vsub.bf16 v23, v30  }
0x28e: {  	v9 =	vbroadcast v9, $0x0;
	v20 =	vld [tilespmem:s15+$0x70];
	v12 =	vadd.s32 $0x2, v22;
	v22 =	vmul.bf16 v14, v2  }
0x28f: {  	v21 =	vld [tilespmem:s17+$0x80];
	v14 =	vadd.s32 $0x3, v15;
	v23 =	vadd.bf16 v11, v18;
	v18 =	vmax.bf16 v19, v0  }
0x290: {  	s19 =	sadd.s32 $0x18D, s16;
	s21 =	sadd.s32 $0x188, s16;
	v26 =	vld [tilespmem:s15+$0x80];
	v15 =	vadd.s32 $0x4, v24;
	v24 =	vmul.bf16 v18, v4;
	v18 =	vadd.bf16 v16, v22;
	v16, _, _ =	vpop (xrf2);
	(xrf2) =	vadd.scan.msk.f32 $0xffff, v10  }
0x291: {  	v28 =	vmov s21;
	v25 =	vmov s19;
	v30 =	vld [tilespmem:s15+$0x90]  }
0x292: {  	v28 =	vshrl.u32 v28, $0x3;
	v25 =	vshrl.u32 v25, $0x3;
	v27 =	vld [tilespmem:s17+$0x90]  }
0x293: {  	v25 =	vshll.u32 v25, v1;
	v7 =	vmul.bf16 v7, v3;
	v19 =	vld [tilespmem:s17+$0xA0];
	v17 =	vsub.bf16 v17, v20  }
0x294: {  	v11 =	vadd.s32 $0x5, v25;
	v25 =	vunpack.i.u.bf16.f32 v23;
	v23 =	vunpack.i.l.bf16.f32 v23;
	v22 =	vld [tilespmem:s15+$0xA0]  }
0x295: {  	v20 =	vld [tilespmem:s17+$0xB0];
	v17 =	vmax.bf16 v17, v0;
	v31 =	vsub.bf16 v21, v26;
	v21 =	vadd.f32 v23, v25  }
0x296: {  	v23 =	vld [tilespmem:s15+$0xB0];
	v26 =	vmul.bf16 v17, v5;
	v17 =	vshll.u32 v28, v1;
	[tilespmem:v9+s26+$0x0] =	vst.idx.msk vm0, v16;
	v9, _, _ =	vpop (xrf2)  }
0x297: {  	s16 =	simm.s32 $0x0;
	v25 =	vld [tilespmem:s17+$0xFFFFFF00];
	s17 =	simm.s32 $0xB300;
	v27 =	vsub.bf16 v27, v30;
	v28 =	vmax.bf16 v31, v0;
	v16 =	vadd.s32 $0x6, v29;
	v10, _, _ =	vpop (xrf2)  }
.LBB2_11:
0x298: {  	v29 =	vld [tilespmem:s17+$0xC0];
	v13 =	vbroadcast v13, $0x0;
	v24 =	vadd.bf16 v26, v24;
	v26 =	vmul.bf16 v28, v2;
	s15 =	sadd.s32 $0x200, s15;
	(xrf2) =	vadd.scan.msk.f32 $0xffff, v21;
	s18 =	smov.u32 s16  }
0x299: {  	v12 =	vbroadcast v12, $0x0;
	v21 =	vld [tilespmem:s15+$0xC0];
	v28 =	vmax.bf16 v27, v0;
	v19 =	vsub.bf16 v19, v22  }
0x29a: {  	v14 =	vbroadcast v14, $0x0;
	v22 =	vld [tilespmem:s17+$0xD0];
	v18 =	vadd.bf16 v24, v18;
	v24 =	vmul.bf16 v28, v3;
	v27, _, _ =	vpop (xrf2)  }
0x29b: {  	v15 =	vbroadcast v15, $0x0;
	v28 =	vld [tilespmem:s15+$0xD0];
	v19 =	vmax.bf16 v19, v0;
	v20 =	vsub.bf16 v20, v23  }
0x29c: {  	v23 =	vld [tilespmem:s17+$0xE0];
	v6 =	vsub.bf16 v25, v6;
	v19 =	vmul.bf16 v19, v4;
	v24 =	vadd.bf16 v24, v26  }
0x29d: {  	v26 =	vunpack.i.u.bf16.f32 v18;
	v18 =	vunpack.i.l.bf16.f32 v18;
	v25 =	vld [tilespmem:s15+$0xE0];
	v20 =	vmax.bf16 v20, v0  }
0x29e: {  	v18 =	vadd.f32 v18, v26;
	v30 =	vld [tilespmem:s17+$0xF0];
	v6 =	vmax.bf16 v6, v0;
	v20 =	vmul.bf16 v20, v5  }
0x29f: {  	s16 =	sadd.s32 $0x8, s16;
	v26 =	vld [tilespmem:s15+$0xF0];
	v31 =	vmul.bf16 v6, v2;
	[tilespmem:v13+s26+$0x0] =	vst.idx.msk vm0, v9;
	v13 =	vbroadcast v11, $0x0  }
0x2a0: {  	p0 =	slt.u32 s16, $0x78;
	v11 =	vbroadcast v17, $0x0;
	v9 =	vbroadcast v16, $0x0;
	v6 =	vld [tilespmem:s15+$0xFFFFFF00];
	v19 =	vadd.bf16 v20, v19;
	(xrf2) =	vadd.scan.msk.f32 $0xffff, v18  }
0x2a1: {  	v16 =	vld [tilespmem:s17+$0xFFFFFF10];
	v7 =	vadd.bf16 v7, v31;
	[tilespmem:v12+s26+$0x0] =	vst.idx.msk vm0, v10  }
0x2a2: {  	v12 =	vsub.bf16 v29, v21;
	v10 =	vld [tilespmem:s15+$0xFFFFFF10];
	[tilespmem:v14+s26+$0x0] =	vst.idx.msk vm0, v27;
	v14 =	vadd.bf16 v19, v24;
	v17, _, _ =	vpop (xrf2)  }
0x2a3: {  	v19 =	vsub.bf16 v22, v28;
	v20 =	vsub.bf16 v23, v25;
	v18 =	vld [tilespmem:s17+$0xFFFFFF20];
	[tilespmem:v15+s26+$0x0] =	vst.idx.msk vm0, v17  }
0x2a4: {  	v7 =	vadd.bf16 v8, v7;
	v15 =	vld [tilespmem:s15+$0xFFFFFF20];
	v17 =	vsub.bf16 v30, v26;
	v8 =	vunpack.i.u.bf16.f32 v14  }
0x2a5: {  	v12 =	vmax.bf16 v12, v0;
	v19 =	vmax.bf16 v19, v0;
	v20 =	vmax.bf16 v20, v0;
	v21 =	vld [tilespmem:s17+$0xFFFFFF30]  }
0x2a6: {  	v12 =	vmul.bf16 v12, v2;
	v19 =	vmul.bf16 v19, v3;
	v22 =	vld [tilespmem:s15+$0xFFFFFF30];
	v17 =	vmax.bf16 v17, v0  }
0x2a7: {  	v26 =	vmul.bf16 v20, v4;
	v10 =	vsub.bf16 v16, v10;
	v16 =	vld [tilespmem:s17+$0xFFFFFF40];
	v17 =	vmul.bf16 v17, v5  }
0x2a8: {  	v14 =	vunpack.i.l.bf16.f32 v14;
	v24 =	vunpack.i.u.bf16.f32 v7;
	v25 =	vunpack.i.l.bf16.f32 v7;
	v23 =	vld [tilespmem:s15+$0xFFFFFF40]  }
0x2a9: {  	v12 =	vadd.bf16 v19, v12;
	v7 =	vmax.bf16 v10, v0;
	v10 =	vld [tilespmem:s17+$0xFFFFFF50];
	v17 =	vadd.bf16 v17, v26  }
0x2aa: {  	v19 =	vadd.f32 v25, v24;
	v15 =	vsub.bf16 v18, v15;
	v7 =	vmul.bf16 v7, v3;
	v18 =	vld [tilespmem:s15+$0xFFFFFF50];
	v20, _, _ =	vpop (xrf2)  }
0x2ab: {  	v21 =	vsub.bf16 v21, v22;
	v22 =	vld [tilespmem:s17+$0xFFFFFF60];
	v12 =	vadd.bf16 v17, v12;
	[tilespmem:v13+s26+$0x0] =	vst.idx.msk vm0, v20  }
0x2ac: {  	v14 =	vadd.f32 v14, v8;
	v13 =	vmax.bf16 v15, v0;
	v15 =	vld [tilespmem:s15+$0xFFFFFF60];
	(xrf2) =	vadd.scan.msk.f32 $0xffff, v19  }
0x2ad: {  	v8 =	vsub.bf16 v16, v23;
	v16 =	vld [tilespmem:s17+$0xFFFFFF70];
	v17 =	vunpack.i.u.bf16.f32 v12;
	v12 =	vunpack.i.l.bf16.f32 v12  }
0x2ae: {  	v13 =	vmul.bf16 v13, v4;
	v19 =	vmax.bf16 v21, v0;
	v20 =	vld [tilespmem:s15+$0xFFFFFF70];
	v12 =	vadd.f32 v12, v17  }
0x2af: {  	s4 =	sadd.s32 s18, s13;
	v17 =	vmul.bf16 v19, v5;
	v8 =	vmax.bf16 v8, v0;
	v10 =	vsub.bf16 v10, v18;
	v18 =	vld [tilespmem:s17+$0xFFFFFF80]  }
0x2b0: {  	s5 =	sadd.s32 $0x189, s4;
	s6 =	sadd.s32 $0x18A, s4;
	s7 =	sadd.s32 $0x18F, s4;
	v19 =	vmul.bf16 v8, v2;
	v21 =	vld [tilespmem:s15+$0xFFFFFF80];
	(xrf2) =	vadd.scan.msk.f32 $0xffff, v12  }
0x2b1: {  	s11 =	sadd.s32 $0x18B, s4;
	s19 =	sadd.s32 $0x18C, s4;
	s20 =	sadd.s32 $0x18D, s4;
	v10 =	vmax.bf16 v10, v0;
	v12 =	vsub.bf16 v22, v15;
	v15 =	vld [tilespmem:s17+$0xFFFFFF90];
	v22 =	vmov s7  }
0x2b2: {  	s18 =	sadd.s32 $0x188, s4;
	s4 =	sadd.s32 $0x18E, s4;
	v8 =	vadd.bf16 v17, v13;
	v10 =	vmul.bf16 v10, v3;
	v13 =	vld [tilespmem:s15+$0xFFFFFF90];
	v17 =	vshrl.u32 v22, $0x3  }
0x2b3: {  	v12 =	vmax.bf16 v12, v0;
	v16 =	vsub.bf16 v16, v20;
	v20 =	vld [tilespmem:s17+$0xFFFFFFA0];
	v17 =	vshll.u32 v17, v1;
	(xrf2) =	vadd.scan.msk.f32 $0xffff, v14  }
0x2b4: {  	v12 =	vmul.bf16 v12, v4;
	v10 =	vadd.bf16 v10, v19;
	v14 =	vld [tilespmem:s15+$0xFFFFFFA0];
	v17 =	vadd.s32 $0x7, v17  }
0x2b5: {  	v16 =	vmax.bf16 v16, v0;
	v18 =	vsub.bf16 v18, v21;
	v19 =	vld [tilespmem:s17+$0xFFFFFFB0];
	v17 =	vbroadcast v17, $0x0  }
0x2b6: {  	v23 =	vmov s6;
	v21 =	vmov s5;
	v16 =	vmul.bf16 v16, v5;
	v22 =	vld [tilespmem:s15+$0xFFFFFFB0];
	v24, _, _ =	vpop (xrf2)  }
0x2b7: {  	v25 =	vmov s11;
	v18 =	vmax.bf16 v18, v0;
	v13 =	vsub.bf16 v15, v13;
	v15 =	vld [tilespmem:s17+$0xFFFFFFC0];
	[tilespmem:v11+s26+$0x0] =	vst.idx.msk vm0, v24  }
0x2b8: {  	v11 =	vadd.bf16 v16, v12;
	v12 =	vmul.bf16 v18, v2;
	v16 =	vld [tilespmem:s15+$0xFFFFFFC0];
	v18 =	vmov s19  }
0x2b9: {  	v24 =	vmov s20;
	v13 =	vmax.bf16 v13, v0;
	v14 =	vsub.bf16 v20, v14;
	v20 =	vld [tilespmem:s17+$0xFFFFFFD0]  }
0x2ba: {  	v26 =	vmov s4;
	v10 =	vadd.bf16 v11, v10;
	v11 =	vmul.bf16 v13, v3;
	v13 =	vld [tilespmem:s15+$0xFFFFFFD0];
	v27, _, _ =	vpop (xrf2)  }
0x2bb: {  	v21 =	vshrl.u32 v21, $0x3;
	v14 =	vmax.bf16 v14, v0;
	v19 =	vsub.bf16 v19, v22;
	v22 =	vld [tilespmem:s17+$0xFFFFFFE0];
	[tilespmem:v17+s26+$0x0] =	vst.idx.msk vm0, v27  }
0x2bc: {  	v17 =	vunpack.i.u.bf16.f32 v10;
	v14 =	vmul.bf16 v14, v4;
	v11 =	vadd.bf16 v11, v12;
	v12 =	vld [tilespmem:s15+$0xFFFFFFE0]  }
0x2bd: {  	v10 =	vunpack.i.l.bf16.f32 v10;
	v19 =	vmax.bf16 v19, v0;
	v15 =	vsub.bf16 v15, v16;
	v16 =	vld [tilespmem:s17+$0xFFFFFFF0];
	v27, _, _ =	vpop (xrf2)  }
0x2be: {  	v10 =	vadd.f32 v10, v17;
	v17 =	vmul.bf16 v19, v5;
	v19 =	vshrl.u32 v23, $0x3;
	v23 =	vld [tilespmem:s15+$0xFFFFFFF0];
	[tilespmem:v9+s26+$0x0] =	vst.idx.msk vm0, v27  }
0x2bf: {  	v9 =	vmax.bf16 v15, v0;
	v13 =	vsub.bf16 v20, v13;
	v15 =	vshrl.u32 v25, $0x3;
	v20 =	vld [tilespmem:s17+$0x0]  }
0x2c0: {  	v18 =	vshrl.u32 v18, $0x3;
	v14 =	vadd.bf16 v17, v14;
	v9 =	vmul.bf16 v9, v2;
	v17 =	vld [tilespmem:s15+$0x0];
	(xrf2) =	vadd.scan.msk.f32 $0xffff, v10  }
0x2c1: {  	v10 =	vmax.bf16 v13, v0;
	v12 =	vsub.bf16 v22, v12;
	v13 =	vld [tilespmem:s17+$0x10];
	v22 =	vshrl.u32 v24, $0x3  }
0x2c2: {  	v24 =	vshrl.u32 v26, $0x3;
	v11 =	vadd.bf16 v14, v11;
	v10 =	vmul.bf16 v10, v3;
	v14 =	vld [tilespmem:s15+$0x10]  }
0x2c3: {  	v25 =	vmov s18;
	v12 =	vmax.bf16 v12, v0;
	v16 =	vsub.bf16 v16, v23;
	v23 =	vld [tilespmem:s17+$0x20]  }
0x2c4: {  	v26 =	vunpack.i.u.bf16.f32 v11;
	v12 =	vmul.bf16 v12, v4;
	v9 =	vadd.bf16 v10, v9;
	v10 =	vld [tilespmem:s15+$0x20]  }
0x2c5: {  	v11 =	vunpack.i.l.bf16.f32 v11;
	v16 =	vmax.bf16 v16, v0;
	v17 =	vsub.bf16 v20, v17;
	v20 =	vld [tilespmem:s17+$0x30]  }
0x2c6: {  	v21 =	vshll.u32 v21, v1;
	v11 =	vadd.f32 v11, v26;
	v16 =	vmul.bf16 v16, v5;
	v26 =	vld [tilespmem:s15+$0x30]  }
0x2c7: {  	v19 =	vshll.u32 v19, v1;
	v17 =	vmax.bf16 v17, v0;
	v13 =	vsub.bf16 v13, v14;
	v14 =	vld [tilespmem:s17+$0x40]  }
0x2c8: {  	v15 =	vshll.u32 v15, v1;
	v12 =	vadd.bf16 v16, v12;
	v16 =	vmul.bf16 v17, v2;
	v17 =	vld [tilespmem:s15+$0x40];
	(xrf2) =	vadd.scan.msk.f32 $0xffff, v11  }
0x2c9: {  	v18 =	vshll.u32 v18, v1;
	v11 =	vmax.bf16 v13, v0;
	v10 =	vsub.bf16 v23, v10;
	v23 =	vld [tilespmem:s17+$0x50]  }
0x2ca: {  	v22 =	vshll.u32 v22, v1;
	v12 =	vadd.bf16 v12, v9;
	v11 =	vmul.bf16 v11, v3;
	v27 =	vld [tilespmem:s15+$0x50];
	v9, _, _ =	vpop (xrf2)  }
0x2cb: {  	v28 =	vshll.u32 v24, v1;
	v10 =	vmax.bf16 v10, v0;
	v13 =	vsub.bf16 v20, v26;
	v20 =	vld [tilespmem:s17+$0x60]  }
0x2cc: {  	v24 =	vunpack.i.u.bf16.f32 v12;
	v10 =	vmul.bf16 v10, v4;
	v11 =	vadd.bf16 v11, v16;
	v16 =	vld [tilespmem:s15+$0x60]  }
0x2cd: {  	v12 =	vunpack.i.l.bf16.f32 v12;
	v13 =	vmax.bf16 v13, v0;
	v14 =	vsub.bf16 v14, v17;
	v17 =	vld [tilespmem:s17+$0x70]  }
0x2ce: {  	v29 =	vshrl.u32 v25, $0x3;
	v24 =	vadd.f32 v12, v24;
	v25 =	vmul.bf16 v13, v5;
	v26 =	vld [tilespmem:s15+$0x70]  }
0x2cf: {  	v13 =	vadd.s32 $0x1, v21;
	v14 =	vmax.bf16 v14, v0;
	v21 =	vsub.bf16 v23, v27;
	v23 =	vld [tilespmem:s17+$0x80]  }
0x2d0: {  	v12 =	vadd.s32 $0x2, v19;
	v32 =	vadd.bf16 v25, v10;
	v25 =	vmul.bf16 v14, v2;
	v27 =	vld [tilespmem:s15+$0x80];
	(xrf2) =	vadd.scan.msk.f32 $0xffff, v24  }
0x2d1: {  	v14 =	vadd.s32 $0x3, v15;
	v19 =	vmax.bf16 v21, v0;
	v16 =	vsub.bf16 v20, v16;
	v30 =	vld [tilespmem:s17+$0x90]  }
0x2d2: {  	v15 =	vadd.s32 $0x4, v18;
	v20 =	vadd.bf16 v32, v11;
	v18 =	vmul.bf16 v19, v3;
	v31 =	vld [tilespmem:s15+$0x90];
	v10, _, _ =	vpop (xrf2)  }
.Ltmp4:
0x2d3: {  	v11 =	vadd.s32 $0x5, v22;
	v16 =	vmax.bf16 v16, v0;
	v17 =	vsub.bf16 v17, v26;
	v19 =	vld [tilespmem:s17+$0xA0];
	(pc) =	sbr.rel @p0 .LBB2_11-.Ltmp4, $4  }
0x2d4: {  	v21 =	vunpack.i.u.bf16.f32 v20;
	v24 =	vmul.bf16 v16, v4;
	v18 =	vadd.bf16 v18, v25;
	v22 =	vld [tilespmem:s15+$0xA0]  }
0x2d5: {  	v16 =	vunpack.i.l.bf16.f32 v20;
	v17 =	vmax.bf16 v17, v0;
	v27 =	vsub.bf16 v23, v27;
	v20 =	vld [tilespmem:s17+$0xB0]  }
0x2d6: {  	v21 =	vadd.f32 v16, v21;
	v16 =	vadd.s32 $0x6, v28;
	v26 =	vmul.bf16 v17, v5;
	v23 =	vld [tilespmem:s15+$0xB0]  }
0x2d7: {  	v17 =	vshll.u32 v29, v1;
	v25 =	vld [tilespmem:s17+$0xFFFFFF00];
	v28 =	vmax.bf16 v27, v0;
	v27 =	vsub.bf16 v30, v31;
	s17 =	sadd.s32 $0x200, s17  }
0x2d8: {  	_ =	sdelay $0x3  }
0x2d9: {  	v24 =	vadd.bf16 v26, v24;
	v6 =	vsub.bf16 v25, v6  }
0x2da: {  	v54 =	vmax.bf16 v27, v0;
	v19 =	vsub.bf16 v19, v22;
	v20 =	vsub.bf16 v20, v23  }
0x2db: {  	v55 =	vmul.bf16 v28, v2;
	v56 =	vmul.bf16 v54, v3;
	v6 =	vmax.bf16 v6, v0  }
0x2dc: {  	v19 =	vmax.bf16 v19, v0;
	v20 =	vmax.bf16 v20, v0;
	v6 =	vmul.bf16 v6, v2  }
0x2dd: {  	v19 =	vmul.bf16 v19, v4;
	v20 =	vmul.bf16 v20, v5  }
0x2de: {  	v18 =	vadd.bf16 v24, v18;
	v6 =	vadd.bf16 v7, v6  }
0x2df: {  	v19 =	vadd.bf16 v20, v19;
	v7 =	vadd.bf16 v56, v55  }
0x2e0: {  	v6 =	vadd.bf16 v8, v6  }
0x2e1: {  	v57 =	vunpack.i.u.bf16.f32 v18;
	v18 =	vunpack.i.l.bf16.f32 v18;
	v7 =	vadd.bf16 v19, v7  }
0x2e2: {  	v8 =	vadd.f32 v18, v57;
	v58 =	vunpack.i.u.bf16.f32 v6;
	v6 =	vunpack.i.l.bf16.f32 v6  }
0x2e3: {  	(xrf2) =	vadd.scan.msk.f32 $0xffff, v21;
	v19 =	vunpack.i.u.bf16.f32 v7;
	v7 =	vunpack.i.l.bf16.f32 v7;
	v6 =	vadd.f32 v6, v58  }
0x2e4: {  	(xrf2) =	vadd.scan.msk.f32 $0xffff, v8;
	v7 =	vadd.f32 v7, v19  }
0x2e5: {  	v59 =	vbroadcast v13, $0x0;
	(xrf2) =	vadd.scan.msk.f32 $0xffff, v6  }
0x2e6: {  	v6 =	vbroadcast v12, $0x0;
	(xrf2) =	vadd.scan.msk.f32 $0xffff, v7  }
0x2e7: {  	v7 =	vbroadcast v14, $0x0  }
0x2e8: {  	v60 =	vbroadcast v15, $0x0  }
0x2e9: {  	v11 =	vbroadcast v11, $0x0  }
0x2ea: {  	v61 =	vbroadcast v17, $0x0  }
0x2eb: {  	v62 =	vbroadcast v16, $0x0;
	s14 =	sadd.s32 $0x1, s14;
	[tilespmem:v59+s26+$0x0] =	vst.idx.msk vm0, v9  }
0x2ec: {  	p0 =	sne.s32 s14, $0x14;
	v63, _, _ =	vpop (xrf2);
	[tilespmem:v6+s26+$0x0] =	vst.idx.msk vm0, v10  }
.Ltmp5:
0x2ed: {  	v6, _, _ =	vpop (xrf2);
	[tilespmem:v7+s26+$0x0] =	vst.idx.msk vm0, v63;
	(pc) =	sbr.rel @p0 .LBB2_4-.Ltmp5, $4  }
0x2ee: {  	v7, _, _ =	vpop (xrf2);
	[tilespmem:v60+s26+$0x0] =	vst.idx.msk vm0, v6  }
0x2ef: {  	[tilespmem:v11+s26+$0x0] =	vst.idx.msk vm0, v7;
	v6, _, _ =	vpop (xrf2)  }
0x2f0: {  	[tilespmem:v61+s26+$0x0] =	vst.idx.msk vm0, v6;
	v6, _, _ =	vpop (xrf2)  }
0x2f1: {  	s13 =	sadd.s32 $0x200, s13;
	[tilespmem:v62+s26+$0x0] =	vst.idx.msk vm0, v6  }
0x2f2: {  	s9 =	sadd.s32 $0x1, s9  }
0x2f3: {  	p0 =	sne.s32 s9, s8  }
.Ltmp6:
0x2f4: {  	s4 =	rddreg [dreg:$0x6];
	(pc) =	sbr.rel @p0 .LBB2_1-.Ltmp6, $4  }
0x2f5: {  	[hbm4b:s4+s2] =	stream.linear.scatter [tilespmem:s26], [sflag:$0x9], $0x2800, $0x38;
	[tilespmem:$0x17840] =	vst v63  }
0x2f6: {  	_ =	swait.ge [sflag:s10], $0x2800  }
0x2f7: {  	[sflag:s10] =	ssyncset.done $0x0  }
0x2f8: {  	s6 =	simm.s32 $0x2800;
	[sflag:s10] =	ssyncadd.s32 $0xFFFFD800  }
0x2f9: {  	_ =	sfence.sel $0x180000  }
0x2fa: {  	[bflag:$0x0] =	sbarrier.arrive $0xFFFF  }
0x2fb: {  	_ =	strace $0x90000047  }
0x2fc: {  	s0 =	stileid.u32;
	[bflag:$0x2] =	sbarrier.arrive $0xFFFF  }
0x2fd: {  	p0 =	sne.s32 s0, $0x0;
	s0 =	rddreg [dreg:$0x2]  }
0x2fe: {  	s0 =	sadd.s32 @!p0 $0x100000, s0  }
0x2ff: {  	[sflag:s0] =	ssyncadd.tile.s32 @!p0 $0x1;
	_ =	shalt  }
.Lfunc_end2:
_tile_overlayer_lowered:
.L_overlay_start_2:
0x300: {  	(tag) =	ssettag $0x2  }
0x301: {  	s0 =	rddreg [dreg:$0x0];
	s2 =	stileid.u32  }
0x302: {  	s1 =	rddreg [dreg:$0x1];
	p0 =	sne.s32 s2, $0x0  }
0x303: {  	s3 =	rddreg [dreg:$0x2];
	[bflag:$0x3] =	sbarrier.arrive $0xFFFF;
	s2 =	simm.s32 @!p0 $0x1C09  }
0x304: {  	[timem:s3], [sflag:s2] =	dma.local @!p0 [hbm:s0], s1  }
0x305: {  	s0 =	simm.s32 @!p0 $0x9  }
0x306: {  	_ =	swait.ge @!p0 [sflag:s0], s1  }
0x307: {  	s1 =	ssub.s32 @!p0 $0x0, s1;
	[sflag:s0] =	ssyncset.done @!p0 $0x0  }
0x308: {  	[sflag:s0] =	ssyncadd.s32 @!p0 s1  }
0x309: {  	[bflag:$0x3] =	sbarrier.arrive $0xFFFF  }
0x30a: {  	_ =	shalt  }

</sc_bundles>
